<compile_context>
chip_gen: v7x
topology: tpu7x:2x2x1
jax: 0.10.2.dev20260603
libtpu: 0.0.44.dev20260713+nightly
codegen_flags: <defaults>
</compile_context>

<pallas_src>
import functools

import jax
import jax.numpy as jnp
from jax import lax
from jax.experimental import pallas as pl
from jax.experimental.pallas import tpu as pltpu
from jax.experimental.pallas import tpu_sc as plsc

F32 = jnp.float32
I32 = jnp.int32

NC = 2
NS = 16
LN = 16

CHUNK = 128
WIN = 16


def _matmul_body(x_ref, w_ref, o_ref):
    o_ref[0] = jnp.dot(x_ref[...], w_ref[0], preferred_element_type=F32)


def _all_relations_matmul(x, w, np_, r, d_in, d_out):
    grid = (r,)
    return pl.pallas_call(
        _matmul_body,
        grid=grid,
        in_specs=[
            pl.BlockSpec((np_, d_in), lambda j: (0, 0)),
            pl.BlockSpec((1, d_in, d_out), lambda j: (j, 0, 0)),
        ],
        out_specs=pl.BlockSpec((1, np_, d_out), lambda j: (j, 0, 0)),
        out_shape=jax.ShapeDtypeStruct((r, np_, d_out), F32),
    )(x, w)


def _sc_sum_body(np_, nchunk, d_out,
                 allt, gidx2, dst2, sums_out,
                 acc_sh, idxv, dstv, msg0, msg1, sem0, sem1):
    c = lax.axis_index("c")
    s = lax.axis_index("s")
    wid = c * NS + s
    rows_per_tile = np_ // NS
    nwin = nchunk // WIN

    zero16 = jnp.zeros((LN,), F32)

    def _zmsg(i, _):
        for t in range(d_out // LN):
            msg0[i, pl.ds(t * LN, LN)] = zero16
        return 0
    lax.fori_loop(0, CHUNK, _zmsg, 0)
    for q in range(rows_per_tile // CHUNK):
        pltpu.sync_copy(msg0, acc_sh.at[pl.ds(s * rows_per_tile + q * CHUNK, CHUNK)])
    plsc.subcore_barrier()

    def _window(w, _):
        base = wid * nchunk + w * WIN
        pltpu.sync_copy(gidx2.at[pl.ds(base, WIN)], idxv)
        pltpu.sync_copy(dst2.at[pl.ds(base, WIN)], dstv)

        pltpu.async_copy(allt.at[idxv.at[0]], msg0, sem0).wait()

        def _chunk(j, _):
            @pl.when(lax.rem(j, 2) == 0)
            def _even():
                cp = pltpu.async_copy(allt.at[idxv.at[j + 1]], msg1, sem1)
                pltpu.sync_copy(msg0, acc_sh.at[dstv.at[j]], add=True)
                cp.wait()

            @pl.when(lax.rem(j, 2) == 1)
            def _odd():
                cp = pltpu.async_copy(allt.at[idxv.at[j + 1]], msg0, sem0)
                pltpu.sync_copy(msg1, acc_sh.at[dstv.at[j]], add=True)
                cp.wait()
            return 0
        lax.fori_loop(0, WIN - 1, _chunk, 0)
        pltpu.sync_copy(msg1, acc_sh.at[dstv.at[WIN - 1]], add=True)
        return 0
    lax.fori_loop(0, nwin, _window, 0)
    plsc.subcore_barrier()

    for q in range(rows_per_tile // CHUNK):
        off = s * rows_per_tile + q * CHUNK
        pltpu.sync_copy(acc_sh.at[pl.ds(off, CHUNK)],
                        sums_out.at[pl.ds(c * np_ + off, CHUNK)])


def _sc_sum(allt, gidx2, dst2, np_, nchunk, d_out):
    mesh = plsc.VectorSubcoreMesh(core_axis_name="c", subcore_axis_name="s",
                                  num_cores=1)
    body = functools.partial(_sc_sum_body, np_, nchunk, d_out)
    return pl.kernel(
        body,
        out_type=jax.ShapeDtypeStruct((NC * np_, d_out), F32),
        mesh=mesh,
        compiler_params=pltpu.CompilerParams(needs_layout_passes=False),
        scratch_types=[
            pltpu.VMEM_SHARED((np_, d_out), F32),
            pltpu.VMEM((WIN, CHUNK), I32),
            pltpu.VMEM((WIN, CHUNK), I32),
            pltpu.VMEM((CHUNK, d_out), F32),
            pltpu.VMEM((CHUNK, d_out), F32),
            pltpu.SemaphoreType.DMA,
            pltpu.SemaphoreType.DMA,
        ],
    )(allt, gidx2, dst2)


def _sc_count_body(np_, nchunk,
                   dst2, cnts_out,
                   cnt_sh, dstv, cntv, idxc):
    c = lax.axis_index("c")
    s = lax.axis_index("s")
    wid = c * NS + s
    crows = np_ // CHUNK
    cgrp = 8
    ntiles_cnt = crows // cgrp
    nwin = nchunk // WIN

    zero16 = jnp.zeros((LN,), F32)
    ones16 = jnp.ones((LN,), F32)

    def _zcnt(i, _):
        for t in range(CHUNK // LN):
            cntv[i, pl.ds(t * LN, LN)] = zero16
        return 0
    lax.fori_loop(0, crows, _zcnt, 0)
    for t in range(crows // LN):
        idxc[0, pl.ds(t * LN, LN)] = lax.iota(I32, LN) + t * LN

    @pl.when(s == 0)
    def _zero_cnt_sh():
        pltpu.sync_copy(cntv, cnt_sh)
    plsc.subcore_barrier()

    def _window(w, _):
        base = wid * nchunk + w * WIN
        pltpu.sync_copy(dst2.at[pl.ds(base, WIN)], dstv)

        def _chunk(j, _):
            for t in range(CHUNK // LN):
                d16 = dstv[j, pl.ds(t * LN, LN)]
                plsc.addupdate_scatter(
                    cntv,
                    [lax.shift_right_logical(d16, 7),
                     lax.bitwise_and(d16, jnp.int32(CHUNK - 1))],
                    ones16)
            return 0
        lax.fori_loop(0, WIN, _chunk, 0)
        return 0
    lax.fori_loop(0, nwin, _window, 0)

    pltpu.sync_copy(cntv, cnt_sh.at[idxc.at[0]], add=True)
    plsc.subcore_barrier()

    @pl.when(s < ntiles_cnt)
    def _write_counts():
        pltpu.sync_copy(cnt_sh.at[pl.ds(s * cgrp, cgrp)],
                        cnts_out.at[pl.ds(c * crows + s * cgrp, cgrp)])


def _sc_count(dst2, np_, nchunk):
    crows = np_ // CHUNK
    mesh = plsc.VectorSubcoreMesh(core_axis_name="c", subcore_axis_name="s")
    body = functools.partial(_sc_count_body, np_, nchunk)
    return pl.kernel(
        body,
        out_type=jax.ShapeDtypeStruct((NC * crows, CHUNK), F32),
        mesh=mesh,
        compiler_params=pltpu.CompilerParams(needs_layout_passes=False),
        scratch_types=[
            pltpu.VMEM_SHARED((crows, CHUNK), F32),
            pltpu.VMEM((WIN, CHUNK), I32),
            pltpu.VMEM((crows, CHUNK), F32),
            pltpu.VMEM((1, crows), I32),
        ],
    )(dst2)


def _final_body(s0, s1, c0, c1, o_ref):
    cnt = c0[0] + c1[0]
    o_ref[...] = (s0[0] + s1[0]) / jnp.maximum(cnt, 1.0)


def _finalize(sums, cnts, n, np_, d_out):
    tn = 400
    grid = (n // tn,)
    s3 = sums.reshape(NC, np_, d_out)
    c3 = cnts.reshape(NC, np_, 1)
    return pl.pallas_call(
        _final_body,
        grid=grid,
        in_specs=[
            pl.BlockSpec((1, tn, d_out), lambda i: (0, i, 0)),
            pl.BlockSpec((1, tn, d_out), lambda i: (1, i, 0)),
            pl.BlockSpec((1, tn, 1), lambda i: (0, i, 0)),
            pl.BlockSpec((1, tn, 1), lambda i: (1, i, 0)),
        ],
        out_specs=pl.BlockSpec((tn, d_out), lambda i: (i, 0)),
        out_shape=jax.ShapeDtypeStruct((n, d_out), F32),
    )(s3, s3, c3, c3)


def kernel(in_feat, weight, edge_index, etype):
    n, d_in = in_feat.shape
    r, _, d_out = weight.shape
    e = etype.shape[0]

    np_ = ((n + 1023) // 1024) * 1024
    nchunk = -(-e // (1 * NS * CHUNK * WIN)) * WIN
    ept = nchunk * CHUNK
    ep = NC * NS * ept

    x = jnp.zeros((np_, d_in), F32).at[:n].set(in_feat).astype(jnp.bfloat16)
    wb = weight.astype(jnp.bfloat16)
    src = edge_index[0]
    dst = edge_index[1]
    pad = ep - e
    gidx = etype * np_ + src
    gidxp = jnp.concatenate([gidx, jnp.zeros((pad,), I32)]).reshape(ep // CHUNK, CHUNK)
    dstp = jnp.concatenate([dst, jnp.full((pad,), np_ - 1, I32)]).reshape(ep // CHUNK, CHUNK)

    allt = _all_relations_matmul(x, wb, np_, r, d_in, d_out)
    allt2 = allt.reshape(r * np_, d_out)

    sums = _sc_sum(allt2, gidxp, dstp, np_, nchunk, d_out)
    return sums[0:8]

# --- scband reference (transcript-rebuilt; emitter-appended) ---
"""Pipeline reference for scband-rgcnlayer-36988258353760 (READ-ONLY COPY).

The authoritative reference and input builder live on the scoring server;
editing this copy changes nothing except your own understanding.
"""

import jax, jax.numpy as jnp
import numpy as np

N = 10000
E = 320000
D_IN = 128
D_OUT = 128
R = 64


def setup_inputs(seed: int = 0) -> dict:
    key = jax.random.key(seed)
    k1, k2, k3, k4 = jax.random.split(key, 4)
    in_feat = jax.random.normal(k1, (N, D_IN), dtype=jnp.float32)
    edge_index = jax.random.randint(k2, (2, E), 0, N, dtype=jnp.int32)
    etype = jax.random.randint(k3, (E,), 0, R, dtype=jnp.int32)
    # basis regularizer with num_bases=-1 -> full per-relation weight [R, D_IN, D_OUT]
    weight = jax.random.normal(k4, (R, D_IN, D_OUT), dtype=jnp.float32) * (1.0 / np.sqrt(D_IN))
    return {"in_feat": in_feat, "weight": weight, "edge_index": edge_index, "etype": etype}


def reference(in_feat, weight, edge_index, etype):
    # Faithful RGCN basis-decomposition layer (num_bases=-1, no bias, no self-loop,
    # activation=None, dropout=0.0 so dropout is identity):
    #   per edge e: msg_e = h_{src(e)} @ W_{etype(e)}
    #   per node v: out_v = mean over incoming edges of msg (0 if no in-edges, as in DGL)
    src = edge_index[0]
    dst = edge_index[1]
    # Compute x @ W_r for all relations, then gather per edge by (etype, src).
    # This is mathematically identical to torch.bmm(src_h.unsqueeze(1), weight[etype]).squeeze(1)
    # but avoids materializing an [E, D_IN, D_OUT] gathered weight tensor.
    all_t = jnp.einsum('nd,rde->rne', in_feat, weight)  # [R, N, D_OUT]
    msg = all_t[etype, src]  # [E, D_OUT]
    summed = jax.ops.segment_sum(msg, dst, num_segments=N)  # [N, D_OUT]
    cnt = jax.ops.segment_sum(jnp.ones((E,), dtype=jnp.float32), dst, num_segments=N)  # [N]
    out = summed / jnp.maximum(cnt, 1.0)[:, None]
    return out

if __name__ == "__main__":
    import jax
    _d = setup_inputs()
    print(jax.jit(kernel)(*tuple(_d.values())))

</pallas_src>

<mosaic_0001>
#map = affine_map<(d0, d1) -> (0, 0)>
module attributes {stable_mosaic.version = 14 : i64} {
  func.func @_sc_sum_body(%arg0: i32, %arg1: i32, %arg2: memref<655360x128xf32, #tpu.memory_space<hbm>>, %arg3: memref<5120x128xi32, #tpu.memory_space<hbm>>, %arg4: memref<5120x128xi32, #tpu.memory_space<hbm>>, %arg5: memref<20480x128xf32, #tpu.memory_space<hbm>>, %arg6: memref<10240x128xf32, #tpu.memory_space<vmem_shared>>, %arg7: memref<16x128xi32, #tpu.memory_space<vmem>>, %arg8: memref<16x128xi32, #tpu.memory_space<vmem>>, %arg9: memref<128x128xf32, #tpu.memory_space<vmem>>, %arg10: memref<128x128xf32, #tpu.memory_space<vmem>>, %arg11: memref<!tpu.dma_semaphore, #tpu.memory_space<semaphore_mem>>, %arg12: memref<!tpu.dma_semaphore, #tpu.memory_space<semaphore_mem>>) attributes {dimension_semantics = [#tpu.dimension_semantics<core_parallel>, #tpu.dimension_semantics<subcore_parallel>], iteration_bounds = array<i64: 1, 16>, scalar_prefetch = 0 : i64, scratch_operands = 7 : i64, tpu.core_type = #tpu.core_type<sc_vector_subcore>, window_params = [{transform_indices = #map}, {transform_indices = #map}, {transform_indices = #map}, {transform_indices = #map}]} {
    %mul3A = arith.constant 16 : i32
    %mul3A_0 = arith.muli %arg0, %mul3A : i32
    %add3A = arith.addi %mul3A_0, %arg1 : i32
    %broadcast_in_dim3A = arith.constant 0.000000e+00 : f32
    %broadcast_in_dim3A_1 = vector.broadcast %broadcast_in_dim3A : f32 to vector<16xf32>
    %scan3A = arith.constant 0 : i32
    %scan3A_2 = arith.constant 0 : i32
    %scan3A_3 = arith.constant 128 : i32
    %scan3A_4 = arith.addi %scan3A_2, %scan3A_3 : i32
    %scan3A_5 = arith.constant 1 : i32
    %scan3A_6 = scf.for %scan3A_71 = %scan3A_2 to %scan3A_4 step %scan3A_5 iter_args(%scan3A_72 = %scan3A) -> (i32)  : i32 {
      %swap3A = arith.index_cast %scan3A_71 : i32 to index
      %swap3A_73 = arith.constant 0 : index
      %swap3A_74 = tpu.vector_load %arg9[%swap3A, %swap3A_73] {strides = array<i32>} : memref<128x128xf32, #tpu.memory_space<vmem>>, vector<16xf32>,
      tpu.vector_store %arg9[%swap3A, %swap3A_73], %broadcast_in_dim3A_1 {strides = array<i32>} : memref<128x128xf32, #tpu.memory_space<vmem>>, vector<16xf32>,
      %swap3A_75 = arith.index_cast %scan3A_71 : i32 to index
      %swap3A_76 = arith.constant 16 : index
      %swap3A_77 = tpu.vector_load %arg9[%swap3A_75, %swap3A_76] {strides = array<i32>} : memref<128x128xf32, #tpu.memory_space<vmem>>, vector<16xf32>,
      tpu.vector_store %arg9[%swap3A_75, %swap3A_76], %broadcast_in_dim3A_1 {strides = array<i32>} : memref<128x128xf32, #tpu.memory_space<vmem>>, vector<16xf32>,
      %swap3A_78 = arith.index_cast %scan3A_71 : i32 to index
      %swap3A_79 = arith.constant 32 : index
      %swap3A_80 = tpu.vector_load %arg9[%swap3A_78, %swap3A_79] {strides = array<i32>} : memref<128x128xf32, #tpu.memory_space<vmem>>, vector<16xf32>,
      tpu.vector_store %arg9[%swap3A_78, %swap3A_79], %broadcast_in_dim3A_1 {strides = array<i32>} : memref<128x128xf32, #tpu.memory_space<vmem>>, vector<16xf32>,
      %swap3A_81 = arith.index_cast %scan3A_71 : i32 to index
      %swap3A_82 = arith.constant 48 : index
      %swap3A_83 = tpu.vector_load %arg9[%swap3A_81, %swap3A_82] {strides = array<i32>} : memref<128x128xf32, #tpu.memory_space<vmem>>, vector<16xf32>,
      tpu.vector_store %arg9[%swap3A_81, %swap3A_82], %broadcast_in_dim3A_1 {strides = array<i32>} : memref<128x128xf32, #tpu.memory_space<vmem>>, vector<16xf32>,
      %swap3A_84 = arith.index_cast %scan3A_71 : i32 to index
      %swap3A_85 = arith.constant 64 : index
      %swap3A_86 = tpu.vector_load %arg9[%swap3A_84, %swap3A_85] {strides = array<i32>} : memref<128x128xf32, #tpu.memory_space<vmem>>, vector<16xf32>,
      tpu.vector_store %arg9[%swap3A_84, %swap3A_85], %broadcast_in_dim3A_1 {strides = array<i32>} : memref<128x128xf32, #tpu.memory_space<vmem>>, vector<16xf32>,
      %swap3A_87 = arith.index_cast %scan3A_71 : i32 to index
      %swap3A_88 = arith.constant 80 : index
      %swap3A_89 = tpu.vector_load %arg9[%swap3A_87, %swap3A_88] {strides = array<i32>} : memref<128x128xf32, #tpu.memory_space<vmem>>, vector<16xf32>,
      tpu.vector_store %arg9[%swap3A_87, %swap3A_88], %broadcast_in_dim3A_1 {strides = array<i32>} : memref<128x128xf32, #tpu.memory_space<vmem>>, vector<16xf32>,
      %swap3A_90 = arith.index_cast %scan3A_71 : i32 to index
      %swap3A_91 = arith.constant 96 : index
      %swap3A_92 = tpu.vector_load %arg9[%swap3A_90, %swap3A_91] {strides = array<i32>} : memref<128x128xf32, #tpu.memory_space<vmem>>, vector<16xf32>,
      tpu.vector_store %arg9[%swap3A_90, %swap3A_91], %broadcast_in_dim3A_1 {strides = array<i32>} : memref<128x128xf32, #tpu.memory_space<vmem>>, vector<16xf32>,
      %swap3A_93 = arith.index_cast %scan3A_71 : i32 to index
      %swap3A_94 = arith.constant 112 : index
      %swap3A_95 = tpu.vector_load %arg9[%swap3A_93, %swap3A_94] {strides = array<i32>} : memref<128x128xf32, #tpu.memory_space<vmem>>, vector<16xf32>,
      tpu.vector_store %arg9[%swap3A_93, %swap3A_94], %broadcast_in_dim3A_1 {strides = array<i32>} : memref<128x128xf32, #tpu.memory_space<vmem>>, vector<16xf32>,
      %scan3A_96 = arith.constant 0 : i32
      scf.yield %scan3A_96 : i32
    }
    %scan3A_7 = arith.constant 128 : i32
    %mul3A_8 = arith.constant 640 : i32
    %mul3A_9 = arith.muli %arg1, %mul3A_8 : i32
    %add3A_10 = arith.constant 0 : i32
    %add3A_11 = arith.addi %mul3A_9, %add3A_10 : i32
    "tpu.region"() ({
      %run_scoped3A = tpu.sem_alloc : memref<!tpu.dma_semaphore, #tpu.memory_space<semaphore_mem>>
      %dma_start3A = arith.constant 0 : i32
      %dma_start3A_71 = tpu.memref_slice %arg6[%add3A_11, %dma_start3A] : memref<10240x128xf32, #tpu.memory_space<vmem_shared>> -> memref<128x128xf32, #tpu.memory_space<vmem_shared>>
      %dma_start3A_72 = arith.constant 0 : i32
      %dma_start3A_73 = tpu.memref_slice %arg6[%add3A_11, %dma_start3A_72] : memref<10240x128xf32, #tpu.memory_space<vmem_shared>> -> memref<128x128xf32, #tpu.memory_space<vmem_shared>>
      tpu.enqueue_dma source(%arg9 : memref<128x128xf32, #tpu.memory_space<vmem>>) target(%dma_start3A_73 : memref<128x128xf32, #tpu.memory_space<vmem_shared>>) target_semaphore(%run_scoped3A : memref<!tpu.dma_semaphore, #tpu.memory_space<semaphore_mem>>)
      %dma_wait3A = arith.constant 0 : i32
      %dma_wait3A_74 = tpu.memref_slice %arg6[%add3A_11, %dma_wait3A] : memref<10240x128xf32, #tpu.memory_space<vmem_shared>> -> memref<128x128xf32, #tpu.memory_space<vmem_shared>>
      %dma_wait3A_75 = arith.constant 0 : i32
      %dma_wait3A_76 = tpu.memref_slice %arg6[%add3A_11, %dma_wait3A_75] : memref<10240x128xf32, #tpu.memory_space<vmem_shared>> -> memref<128x128xf32, #tpu.memory_space<vmem_shared>>
      tpu.wait_dma2 semaphore(%run_scoped3A : memref<!tpu.dma_semaphore, #tpu.memory_space<semaphore_mem>>) src(%arg9 : memref<128x128xf32, #tpu.memory_space<vmem>>) dst(%dma_wait3A_76 : memref<128x128xf32, #tpu.memory_space<vmem_shared>>)
      tpu.yield
    }) : () -> ()
    %mul3A_12 = arith.constant 640 : i32
    %mul3A_13 = arith.muli %arg1, %mul3A_12 : i32
    %add3A_14 = arith.constant 128 : i32
    %add3A_15 = arith.addi %mul3A_13, %add3A_14 : i32
    "tpu.region"() ({
      %run_scoped3A = tpu.sem_alloc : memref<!tpu.dma_semaphore, #tpu.memory_space<semaphore_mem>>
      %dma_start3A = arith.constant 0 : i32
      %dma_start3A_71 = tpu.memref_slice %arg6[%add3A_15, %dma_start3A] : memref<10240x128xf32, #tpu.memory_space<vmem_shared>> -> memref<128x128xf32, #tpu.memory_space<vmem_shared>>
      %dma_start3A_72 = arith.constant 0 : i32
      %dma_start3A_73 = tpu.memref_slice %arg6[%add3A_15, %dma_start3A_72] : memref<10240x128xf32, #tpu.memory_space<vmem_shared>> -> memref<128x128xf32, #tpu.memory_space<vmem_shared>>
      tpu.enqueue_dma source(%arg9 : memref<128x128xf32, #tpu.memory_space<vmem>>) target(%dma_start3A_73 : memref<128x128xf32, #tpu.memory_space<vmem_shared>>) target_semaphore(%run_scoped3A : memref<!tpu.dma_semaphore, #tpu.memory_space<semaphore_mem>>)
      %dma_wait3A = arith.constant 0 : i32
      %dma_wait3A_74 = tpu.memref_slice %arg6[%add3A_15, %dma_wait3A] : memref<10240x128xf32, #tpu.memory_space<vmem_shared>> -> memref<128x128xf32, #tpu.memory_space<vmem_shared>>
      %dma_wait3A_75 = arith.constant 0 : i32
      %dma_wait3A_76 = tpu.memref_slice %arg6[%add3A_15, %dma_wait3A_75] : memref<10240x128xf32, #tpu.memory_space<vmem_shared>> -> memref<128x128xf32, #tpu.memory_space<vmem_shared>>
      tpu.wait_dma2 semaphore(%run_scoped3A : memref<!tpu.dma_semaphore, #tpu.memory_space<semaphore_mem>>) src(%arg9 : memref<128x128xf32, #tpu.memory_space<vmem>>) dst(%dma_wait3A_76 : memref<128x128xf32, #tpu.memory_space<vmem_shared>>)
      tpu.yield
    }) : () -> ()
    %mul3A_16 = arith.constant 640 : i32
    %mul3A_17 = arith.muli %arg1, %mul3A_16 : i32
    %add3A_18 = arith.constant 256 : i32
    %add3A_19 = arith.addi %mul3A_17, %add3A_18 : i32
    "tpu.region"() ({
      %run_scoped3A = tpu.sem_alloc : memref<!tpu.dma_semaphore, #tpu.memory_space<semaphore_mem>>
      %dma_start3A = arith.constant 0 : i32
      %dma_start3A_71 = tpu.memref_slice %arg6[%add3A_19, %dma_start3A] : memref<10240x128xf32, #tpu.memory_space<vmem_shared>> -> memref<128x128xf32, #tpu.memory_space<vmem_shared>>
      %dma_start3A_72 = arith.constant 0 : i32
      %dma_start3A_73 = tpu.memref_slice %arg6[%add3A_19, %dma_start3A_72] : memref<10240x128xf32, #tpu.memory_space<vmem_shared>> -> memref<128x128xf32, #tpu.memory_space<vmem_shared>>
      tpu.enqueue_dma source(%arg9 : memref<128x128xf32, #tpu.memory_space<vmem>>) target(%dma_start3A_73 : memref<128x128xf32, #tpu.memory_space<vmem_shared>>) target_semaphore(%run_scoped3A : memref<!tpu.dma_semaphore, #tpu.memory_space<semaphore_mem>>)
      %dma_wait3A = arith.constant 0 : i32
      %dma_wait3A_74 = tpu.memref_slice %arg6[%add3A_19, %dma_wait3A] : memref<10240x128xf32, #tpu.memory_space<vmem_shared>> -> memref<128x128xf32, #tpu.memory_space<vmem_shared>>
      %dma_wait3A_75 = arith.constant 0 : i32
      %dma_wait3A_76 = tpu.memref_slice %arg6[%add3A_19, %dma_wait3A_75] : memref<10240x128xf32, #tpu.memory_space<vmem_shared>> -> memref<128x128xf32, #tpu.memory_space<vmem_shared>>
      tpu.wait_dma2 semaphore(%run_scoped3A : memref<!tpu.dma_semaphore, #tpu.memory_space<semaphore_mem>>) src(%arg9 : memref<128x128xf32, #tpu.memory_space<vmem>>) dst(%dma_wait3A_76 : memref<128x128xf32, #tpu.memory_space<vmem_shared>>)
      tpu.yield
    }) : () -> ()
    %mul3A_20 = arith.constant 640 : i32
    %mul3A_21 = arith.muli %arg1, %mul3A_20 : i32
    %add3A_22 = arith.constant 384 : i32
    %add3A_23 = arith.addi %mul3A_21, %add3A_22 : i32
    "tpu.region"() ({
      %run_scoped3A = tpu.sem_alloc : memref<!tpu.dma_semaphore, #tpu.memory_space<semaphore_mem>>
      %dma_start3A = arith.constant 0 : i32
      %dma_start3A_71 = tpu.memref_slice %arg6[%add3A_23, %dma_start3A] : memref<10240x128xf32, #tpu.memory_space<vmem_shared>> -> memref<128x128xf32, #tpu.memory_space<vmem_shared>>
      %dma_start3A_72 = arith.constant 0 : i32
      %dma_start3A_73 = tpu.memref_slice %arg6[%add3A_23, %dma_start3A_72] : memref<10240x128xf32, #tpu.memory_space<vmem_shared>> -> memref<128x128xf32, #tpu.memory_space<vmem_shared>>
      tpu.enqueue_dma source(%arg9 : memref<128x128xf32, #tpu.memory_space<vmem>>) target(%dma_start3A_73 : memref<128x128xf32, #tpu.memory_space<vmem_shared>>) target_semaphore(%run_scoped3A : memref<!tpu.dma_semaphore, #tpu.memory_space<semaphore_mem>>)
      %dma_wait3A = arith.constant 0 : i32
      %dma_wait3A_74 = tpu.memref_slice %arg6[%add3A_23, %dma_wait3A] : memref<10240x128xf32, #tpu.memory_space<vmem_shared>> -> memref<128x128xf32, #tpu.memory_space<vmem_shared>>
      %dma_wait3A_75 = arith.constant 0 : i32
      %dma_wait3A_76 = tpu.memref_slice %arg6[%add3A_23, %dma_wait3A_75] : memref<10240x128xf32, #tpu.memory_space<vmem_shared>> -> memref<128x128xf32, #tpu.memory_space<vmem_shared>>
      tpu.wait_dma2 semaphore(%run_scoped3A : memref<!tpu.dma_semaphore, #tpu.memory_space<semaphore_mem>>) src(%arg9 : memref<128x128xf32, #tpu.memory_space<vmem>>) dst(%dma_wait3A_76 : memref<128x128xf32, #tpu.memory_space<vmem_shared>>)
      tpu.yield
    }) : () -> ()
    %mul3A_24 = arith.constant 640 : i32
    %mul3A_25 = arith.muli %arg1, %mul3A_24 : i32
    %add3A_26 = arith.constant 512 : i32
    %add3A_27 = arith.addi %mul3A_25, %add3A_26 : i32
    "tpu.region"() ({
      %run_scoped3A = tpu.sem_alloc : memref<!tpu.dma_semaphore, #tpu.memory_space<semaphore_mem>>
      %dma_start3A = arith.constant 0 : i32
      %dma_start3A_71 = tpu.memref_slice %arg6[%add3A_27, %dma_start3A] : memref<10240x128xf32, #tpu.memory_space<vmem_shared>> -> memref<128x128xf32, #tpu.memory_space<vmem_shared>>
      %dma_start3A_72 = arith.constant 0 : i32
      %dma_start3A_73 = tpu.memref_slice %arg6[%add3A_27, %dma_start3A_72] : memref<10240x128xf32, #tpu.memory_space<vmem_shared>> -> memref<128x128xf32, #tpu.memory_space<vmem_shared>>
      tpu.enqueue_dma source(%arg9 : memref<128x128xf32, #tpu.memory_space<vmem>>) target(%dma_start3A_73 : memref<128x128xf32, #tpu.memory_space<vmem_shared>>) target_semaphore(%run_scoped3A : memref<!tpu.dma_semaphore, #tpu.memory_space<semaphore_mem>>)
      %dma_wait3A = arith.constant 0 : i32
      %dma_wait3A_74 = tpu.memref_slice %arg6[%add3A_27, %dma_wait3A] : memref<10240x128xf32, #tpu.memory_space<vmem_shared>> -> memref<128x128xf32, #tpu.memory_space<vmem_shared>>
      %dma_wait3A_75 = arith.constant 0 : i32
      %dma_wait3A_76 = tpu.memref_slice %arg6[%add3A_27, %dma_wait3A_75] : memref<10240x128xf32, #tpu.memory_space<vmem_shared>> -> memref<128x128xf32, #tpu.memory_space<vmem_shared>>
      tpu.wait_dma2 semaphore(%run_scoped3A : memref<!tpu.dma_semaphore, #tpu.memory_space<semaphore_mem>>) src(%arg9 : memref<128x128xf32, #tpu.memory_space<vmem>>) dst(%dma_wait3A_76 : memref<128x128xf32, #tpu.memory_space<vmem_shared>>)
      tpu.yield
    }) : () -> ()
    %barrier3A = arith.constant 0 : index
    tpu.barrier barrier_id(%barrier3A)
    %scan3A_28 = arith.constant 0 : i32
    %scan3A_29 = arith.constant 0 : i32
    %scan3A_30 = arith.constant 10 : i32
    %scan3A_31 = arith.addi %scan3A_29, %scan3A_30 : i32
    %scan3A_32 = arith.constant 1 : i32
    %scan3A_33 = scf.for %scan3A_71 = %scan3A_29 to %scan3A_31 step %scan3A_32 iter_args(%scan3A_72 = %scan3A_28) -> (i32)  : i32 {
      %mul3A_73 = arith.constant 160 : i32
      %mul3A_74 = arith.muli %add3A, %mul3A_73 : i32
      %mul3A_75 = arith.constant 16 : i32
      %mul3A_76 = arith.muli %scan3A_71, %mul3A_75 : i32
      %add3A_77 = arith.addi %mul3A_74, %mul3A_76 : i32
      "tpu.region"() ({
        %run_scoped3A_98 = tpu.sem_alloc : memref<!tpu.dma_semaphore, #tpu.memory_space<semaphore_mem>>
        %dma_start3A_99 = arith.constant 0 : i32
        %dma_start3A_100 = tpu.memref_slice %arg3[%add3A_77, %dma_start3A_99] : memref<5120x128xi32, #tpu.memory_space<hbm>> -> memref<16x128xi32, #tpu.memory_space<hbm>>
        %dma_start3A_101 = arith.constant 0 : i32
        %dma_start3A_102 = tpu.memref_slice %arg3[%add3A_77, %dma_start3A_101] : memref<5120x128xi32, #tpu.memory_space<hbm>> -> memref<16x128xi32, #tpu.memory_space<hbm>>
        tpu.enqueue_dma source(%dma_start3A_102 : memref<16x128xi32, #tpu.memory_space<hbm>>) target(%arg7 : memref<16x128xi32, #tpu.memory_space<vmem>>) target_semaphore(%run_scoped3A_98 : memref<!tpu.dma_semaphore, #tpu.memory_space<semaphore_mem>>)
        %dma_wait3A_103 = arith.constant 0 : i32
        %dma_wait3A_104 = tpu.memref_slice %arg3[%add3A_77, %dma_wait3A_103] : memref<5120x128xi32, #tpu.memory_space<hbm>> -> memref<16x128xi32, #tpu.memory_space<hbm>>
        %dma_wait3A_105 = arith.constant 0 : i32
        %dma_wait3A_106 = tpu.memref_slice %arg3[%add3A_77, %dma_wait3A_105] : memref<5120x128xi32, #tpu.memory_space<hbm>> -> memref<16x128xi32, #tpu.memory_space<hbm>>
        tpu.wait_dma2 semaphore(%run_scoped3A_98 : memref<!tpu.dma_semaphore, #tpu.memory_space<semaphore_mem>>) src(%dma_wait3A_106 : memref<16x128xi32, #tpu.memory_space<hbm>>) dst(%arg7 : memref<16x128xi32, #tpu.memory_space<vmem>>)
        tpu.yield
      }) : () -> ()
      "tpu.region"() ({
        %run_scoped3A_98 = tpu.sem_alloc : memref<!tpu.dma_semaphore, #tpu.memory_space<semaphore_mem>>
        %dma_start3A_99 = arith.constant 0 : i32
        %dma_start3A_100 = tpu.memref_slice %arg4[%add3A_77, %dma_start3A_99] : memref<5120x128xi32, #tpu.memory_space<hbm>> -> memref<16x128xi32, #tpu.memory_space<hbm>>
        %dma_start3A_101 = arith.constant 0 : i32
        %dma_start3A_102 = tpu.memref_slice %arg4[%add3A_77, %dma_start3A_101] : memref<5120x128xi32, #tpu.memory_space<hbm>> -> memref<16x128xi32, #tpu.memory_space<hbm>>
        tpu.enqueue_dma source(%dma_start3A_102 : memref<16x128xi32, #tpu.memory_space<hbm>>) target(%arg8 : memref<16x128xi32, #tpu.memory_space<vmem>>) target_semaphore(%run_scoped3A_98 : memref<!tpu.dma_semaphore, #tpu.memory_space<semaphore_mem>>)
        %dma_wait3A_103 = arith.constant 0 : i32
        %dma_wait3A_104 = tpu.memref_slice %arg4[%add3A_77, %dma_wait3A_103] : memref<5120x128xi32, #tpu.memory_space<hbm>> -> memref<16x128xi32, #tpu.memory_space<hbm>>
        %dma_wait3A_105 = arith.constant 0 : i32
        %dma_wait3A_106 = tpu.memref_slice %arg4[%add3A_77, %dma_wait3A_105] : memref<5120x128xi32, #tpu.memory_space<hbm>> -> memref<16x128xi32, #tpu.memory_space<hbm>>
        tpu.wait_dma2 semaphore(%run_scoped3A_98 : memref<!tpu.dma_semaphore, #tpu.memory_space<semaphore_mem>>) src(%dma_wait3A_106 : memref<16x128xi32, #tpu.memory_space<hbm>>) dst(%arg8 : memref<16x128xi32, #tpu.memory_space<vmem>>)
        tpu.yield
      }) : () -> ()
      %dma_start3A = arith.constant 0 : i32
      %dma_start3A_78 = arith.constant 0 : i32
      %dma_start3A_79 = tpu.memref_slice %arg7[%dma_start3A, %dma_start3A_78] : memref<16x128xi32, #tpu.memory_space<vmem>> -> memref<1x128xi32, #tpu.memory_space<vmem>>
      %dma_start3A_80 = tpu.memref_squeeze %dma_start3A_79 : memref<1x128xi32, #tpu.memory_space<vmem>> -> memref<128xi32, #tpu.memory_space<vmem>>
      %dma_start3A_81 = arith.constant 0 : i32
      %dma_start3A_82 = arith.constant 0 : i32
      %dma_start3A_83 = tpu.memref_slice %arg2[%dma_start3A_81, %dma_start3A_82] : memref<655360x128xf32, #tpu.memory_space<hbm>> -> memref<655360x128xf32, #tpu.memory_space<hbm>>
      tpu.enqueue_indirect_dma source(%dma_start3A_83 : memref<655360x128xf32, #tpu.memory_space<hbm>>) target(%arg9 : memref<128x128xf32, #tpu.memory_space<vmem>>) offsets(%dma_start3A_80 : memref<128xi32, #tpu.memory_space<vmem>>) semaphore(%arg11 : memref<!tpu.dma_semaphore, #tpu.memory_space<semaphore_mem>>)
      %dma_wait3A = arith.constant 0 : i32
      %dma_wait3A_84 = arith.constant 0 : i32
      %dma_wait3A_85 = tpu.memref_slice %arg7[%dma_wait3A, %dma_wait3A_84] : memref<16x128xi32, #tpu.memory_space<vmem>> -> memref<1x128xi32, #tpu.memory_space<vmem>>
      %dma_wait3A_86 = tpu.memref_squeeze %dma_wait3A_85 : memref<1x128xi32, #tpu.memory_space<vmem>> -> memref<128xi32, #tpu.memory_space<vmem>>
      %dma_wait3A_87 = arith.constant 0 : i32
      %dma_wait3A_88 = arith.constant 0 : i32
      %dma_wait3A_89 = tpu.memref_slice %arg2[%dma_wait3A_87, %dma_wait3A_88] : memref<655360x128xf32, #tpu.memory_space<hbm>> -> memref<655360x128xf32, #tpu.memory_space<hbm>>
      tpu.wait_indirect_dma semaphore(%arg11 : memref<!tpu.dma_semaphore, #tpu.memory_space<semaphore_mem>>) src(%dma_wait3A_89 : memref<655360x128xf32, #tpu.memory_space<hbm>>) dst(%arg9 : memref<128x128xf32, #tpu.memory_space<vmem>>)
      %scan3A_90 = arith.constant 0 : i32
      %scan3A_91 = arith.constant 0 : i32
      %scan3A_92 = arith.constant 15 : i32
      %scan3A_93 = arith.addi %scan3A_91, %scan3A_92 : i32
      %scan3A_94 = arith.constant 1 : i32
      %scan3A_95 = scf.for %scan3A_98 = %scan3A_91 to %scan3A_93 step %scan3A_94 iter_args(%scan3A_99 = %scan3A_90) -> (i32)  : i32 {
        %rem3A = arith.constant 2 : i32
        %rem3A_100 = arith.remsi %scan3A_98, %rem3A : i32
        %eq3A = arith.constant 0 : i32
        %eq3A_101 = arith.cmpi eq, %rem3A_100, %eq3A : i32
        %convert_element_type3A = arith.extui %eq3A_101 : i1 to i32
        %cond3A = arith.constant 0 : i32
        %cond3A_102 = arith.cmpi ne, %convert_element_type3A, %cond3A : i32
        scf.if %cond3A_102 {
          %add3A_111 = arith.constant 1 : i32
          %add3A_112 = arith.addi %scan3A_98, %add3A_111 : i32
          %dma_start3A_113 = arith.constant 0 : i32
          %dma_start3A_114 = tpu.memref_slice %arg7[%add3A_112, %dma_start3A_113] : memref<16x128xi32, #tpu.memory_space<vmem>> -> memref<1x128xi32, #tpu.memory_space<vmem>>
          %dma_start3A_115 = tpu.memref_squeeze %dma_start3A_114 : memref<1x128xi32, #tpu.memory_space<vmem>> -> memref<128xi32, #tpu.memory_space<vmem>>
          %dma_start3A_116 = arith.constant 0 : i32
          %dma_start3A_117 = arith.constant 0 : i32
          %dma_start3A_118 = tpu.memref_slice %arg2[%dma_start3A_116, %dma_start3A_117] : memref<655360x128xf32, #tpu.memory_space<hbm>> -> memref<655360x128xf32, #tpu.memory_space<hbm>>
          tpu.enqueue_indirect_dma source(%dma_start3A_118 : memref<655360x128xf32, #tpu.memory_space<hbm>>) target(%arg10 : memref<128x128xf32, #tpu.memory_space<vmem>>) offsets(%dma_start3A_115 : memref<128xi32, #tpu.memory_space<vmem>>) semaphore(%arg12 : memref<!tpu.dma_semaphore, #tpu.memory_space<semaphore_mem>>)
          "tpu.region"() ({
            %run_scoped3A_125 = tpu.sem_alloc : memref<!tpu.dma_semaphore, #tpu.memory_space<semaphore_mem>>
            %dma_start3A_126 = arith.constant 0 : i32
            %dma_start3A_127 = tpu.memref_slice %arg8[%scan3A_98, %dma_start3A_126] : memref<16x128xi32, #tpu.memory_space<vmem>> -> memref<1x128xi32, #tpu.memory_space<vmem>>
            %dma_start3A_128 = tpu.memref_squeeze %dma_start3A_127 : memref<1x128xi32, #tpu.memory_space<vmem>> -> memref<128xi32, #tpu.memory_space<vmem>>
            %dma_start3A_129 = arith.constant 0 : i32
            %dma_start3A_130 = arith.constant 0 : i32
            %dma_start3A_131 = tpu.memref_slice %arg6[%dma_start3A_129, %dma_start3A_130] : memref<10240x128xf32, #tpu.memory_space<vmem_shared>> -> memref<10240x128xf32, #tpu.memory_space<vmem_shared>>
            tpu.enqueue_indirect_dma source(%arg9 : memref<128x128xf32, #tpu.memory_space<vmem>>) target(%dma_start3A_131 : memref<10240x128xf32, #tpu.memory_space<vmem_shared>>) offsets(%dma_start3A_128 : memref<128xi32, #tpu.memory_space<vmem>>) semaphore(%run_scoped3A_125 : memref<!tpu.dma_semaphore, #tpu.memory_space<semaphore_mem>>) {add = true}
            %dma_wait3A_132 = arith.constant 0 : i32
            %dma_wait3A_133 = tpu.memref_slice %arg8[%scan3A_98, %dma_wait3A_132] : memref<16x128xi32, #tpu.memory_space<vmem>> -> memref<1x128xi32, #tpu.memory_space<vmem>>
            %dma_wait3A_134 = tpu.memref_squeeze %dma_wait3A_133 : memref<1x128xi32, #tpu.memory_space<vmem>> -> memref<128xi32, #tpu.memory_space<vmem>>
            %dma_wait3A_135 = arith.constant 0 : i32
            %dma_wait3A_136 = arith.constant 0 : i32
            %dma_wait3A_137 = tpu.memref_slice %arg6[%dma_wait3A_135, %dma_wait3A_136] : memref<10240x128xf32, #tpu.memory_space<vmem_shared>> -> memref<10240x128xf32, #tpu.memory_space<vmem_shared>>
            tpu.wait_indirect_dma semaphore(%run_scoped3A_125 : memref<!tpu.dma_semaphore, #tpu.memory_space<semaphore_mem>>) src(%arg9 : memref<128x128xf32, #tpu.memory_space<vmem>>) dst(%dma_wait3A_137 : memref<10240x128xf32, #tpu.memory_space<vmem_shared>>)
            tpu.yield
          }) : () -> ()
          %dma_wait3A_119 = arith.constant 0 : i32
          %dma_wait3A_120 = tpu.memref_slice %arg7[%add3A_112, %dma_wait3A_119] : memref<16x128xi32, #tpu.memory_space<vmem>> -> memref<1x128xi32, #tpu.memory_space<vmem>>
          %dma_wait3A_121 = tpu.memref_squeeze %dma_wait3A_120 : memref<1x128xi32, #tpu.memory_space<vmem>> -> memref<128xi32, #tpu.memory_space<vmem>>
          %dma_wait3A_122 = arith.constant 0 : i32
          %dma_wait3A_123 = arith.constant 0 : i32
          %dma_wait3A_124 = tpu.memref_slice %arg2[%dma_wait3A_122, %dma_wait3A_123] : memref<655360x128xf32, #tpu.memory_space<hbm>> -> memref<655360x128xf32, #tpu.memory_space<hbm>>
          tpu.wait_indirect_dma semaphore(%arg12 : memref<!tpu.dma_semaphore, #tpu.memory_space<semaphore_mem>>) src(%dma_wait3A_124 : memref<655360x128xf32, #tpu.memory_space<hbm>>) dst(%arg10 : memref<128x128xf32, #tpu.memory_space<vmem>>)
        } else {
        }
        %rem3A_103 = arith.constant 2 : i32
        %rem3A_104 = arith.remsi %scan3A_98, %rem3A_103 : i32
        %eq3A_105 = arith.constant 1 : i32
        %eq3A_106 = arith.cmpi eq, %rem3A_104, %eq3A_105 : i32
        %convert_element_type3A_107 = arith.extui %eq3A_106 : i1 to i32
        %cond3A_108 = arith.constant 0 : i32
        %cond3A_109 = arith.cmpi ne, %convert_element_type3A_107, %cond3A_108 : i32
        scf.if %cond3A_109 {
          %add3A_111 = arith.constant 1 : i32
          %add3A_112 = arith.addi %scan3A_98, %add3A_111 : i32
          %dma_start3A_113 = arith.constant 0 : i32
          %dma_start3A_114 = tpu.memref_slice %arg7[%add3A_112, %dma_start3A_113] : memref<16x128xi32, #tpu.memory_space<vmem>> -> memref<1x128xi32, #tpu.memory_space<vmem>>
          %dma_start3A_115 = tpu.memref_squeeze %dma_start3A_114 : memref<1x128xi32, #tpu.memory_space<vmem>> -> memref<128xi32, #tpu.memory_space<vmem>>
          %dma_start3A_116 = arith.constant 0 : i32
          %dma_start3A_117 = arith.constant 0 : i32
          %dma_start3A_118 = tpu.memref_slice %arg2[%dma_start3A_116, %dma_start3A_117] : memref<655360x128xf32, #tpu.memory_space<hbm>> -> memref<655360x128xf32, #tpu.memory_space<hbm>>
          tpu.enqueue_indirect_dma source(%dma_start3A_118 : memref<655360x128xf32, #tpu.memory_space<hbm>>) target(%arg9 : memref<128x128xf32, #tpu.memory_space<vmem>>) offsets(%dma_start3A_115 : memref<128xi32, #tpu.memory_space<vmem>>) semaphore(%arg11 : memref<!tpu.dma_semaphore, #tpu.memory_space<semaphore_mem>>)
          "tpu.region"() ({
            %run_scoped3A_125 = tpu.sem_alloc : memref<!tpu.dma_semaphore, #tpu.memory_space<semaphore_mem>>
            %dma_start3A_126 = arith.constant 0 : i32
            %dma_start3A_127 = tpu.memref_slice %arg8[%scan3A_98, %dma_start3A_126] : memref<16x128xi32, #tpu.memory_space<vmem>> -> memref<1x128xi32, #tpu.memory_space<vmem>>
            %dma_start3A_128 = tpu.memref_squeeze %dma_start3A_127 : memref<1x128xi32, #tpu.memory_space<vmem>> -> memref<128xi32, #tpu.memory_space<vmem>>
            %dma_start3A_129 = arith.constant 0 : i32
            %dma_start3A_130 = arith.constant 0 : i32
            %dma_start3A_131 = tpu.memref_slice %arg6[%dma_start3A_129, %dma_start3A_130] : memref<10240x128xf32, #tpu.memory_space<vmem_shared>> -> memref<10240x128xf32, #tpu.memory_space<vmem_shared>>
            tpu.enqueue_indirect_dma source(%arg10 : memref<128x128xf32, #tpu.memory_space<vmem>>) target(%dma_start3A_131 : memref<10240x128xf32, #tpu.memory_space<vmem_shared>>) offsets(%dma_start3A_128 : memref<128xi32, #tpu.memory_space<vmem>>) semaphore(%run_scoped3A_125 : memref<!tpu.dma_semaphore, #tpu.memory_space<semaphore_mem>>) {add = true}
            %dma_wait3A_132 = arith.constant 0 : i32
            %dma_wait3A_133 = tpu.memref_slice %arg8[%scan3A_98, %dma_wait3A_132] : memref<16x128xi32, #tpu.memory_space<vmem>> -> memref<1x128xi32, #tpu.memory_space<vmem>>
            %dma_wait3A_134 = tpu.memref_squeeze %dma_wait3A_133 : memref<1x128xi32, #tpu.memory_space<vmem>> -> memref<128xi32, #tpu.memory_space<vmem>>
            %dma_wait3A_135 = arith.constant 0 : i32
            %dma_wait3A_136 = arith.constant 0 : i32
            %dma_wait3A_137 = tpu.memref_slice %arg6[%dma_wait3A_135, %dma_wait3A_136] : memref<10240x128xf32, #tpu.memory_space<vmem_shared>> -> memref<10240x128xf32, #tpu.memory_space<vmem_shared>>
            tpu.wait_indirect_dma semaphore(%run_scoped3A_125 : memref<!tpu.dma_semaphore, #tpu.memory_space<semaphore_mem>>) src(%arg10 : memref<128x128xf32, #tpu.memory_space<vmem>>) dst(%dma_wait3A_137 : memref<10240x128xf32, #tpu.memory_space<vmem_shared>>)
            tpu.yield
          }) : () -> ()
          %dma_wait3A_119 = arith.constant 0 : i32
          %dma_wait3A_120 = tpu.memref_slice %arg7[%add3A_112, %dma_wait3A_119] : memref<16x128xi32, #tpu.memory_space<vmem>> -> memref<1x128xi32, #tpu.memory_space<vmem>>
          %dma_wait3A_121 = tpu.memref_squeeze %dma_wait3A_120 : memref<1x128xi32, #tpu.memory_space<vmem>> -> memref<128xi32, #tpu.memory_space<vmem>>
          %dma_wait3A_122 = arith.constant 0 : i32
          %dma_wait3A_123 = arith.constant 0 : i32
          %dma_wait3A_124 = tpu.memref_slice %arg2[%dma_wait3A_122, %dma_wait3A_123] : memref<655360x128xf32, #tpu.memory_space<hbm>> -> memref<655360x128xf32, #tpu.memory_space<hbm>>
          tpu.wait_indirect_dma semaphore(%arg11 : memref<!tpu.dma_semaphore, #tpu.memory_space<semaphore_mem>>) src(%dma_wait3A_124 : memref<655360x128xf32, #tpu.memory_space<hbm>>) dst(%arg9 : memref<128x128xf32, #tpu.memory_space<vmem>>)
        } else {
        }
        %scan3A_110 = arith.constant 0 : i32
        scf.yield %scan3A_110 : i32
      }
      %scan3A_96 = arith.constant 15 : i32
      %run_scoped3A = arith.constant 15 : i32
      "tpu.region"() ({
        %run_scoped3A_98 = tpu.sem_alloc : memref<!tpu.dma_semaphore, #tpu.memory_space<semaphore_mem>>
        %dma_start3A_99 = arith.constant 0 : i32
        %dma_start3A_100 = tpu.memref_slice %arg8[%run_scoped3A, %dma_start3A_99] : memref<16x128xi32, #tpu.memory_space<vmem>> -> memref<1x128xi32, #tpu.memory_space<vmem>>
        %dma_start3A_101 = tpu.memref_squeeze %dma_start3A_100 : memref<1x128xi32, #tpu.memory_space<vmem>> -> memref<128xi32, #tpu.memory_space<vmem>>
        %dma_start3A_102 = arith.constant 0 : i32
        %dma_start3A_103 = arith.constant 0 : i32
        %dma_start3A_104 = tpu.memref_slice %arg6[%dma_start3A_102, %dma_start3A_103] : memref<10240x128xf32, #tpu.memory_space<vmem_shared>> -> memref<10240x128xf32, #tpu.memory_space<vmem_shared>>
        tpu.enqueue_indirect_dma source(%arg10 : memref<128x128xf32, #tpu.memory_space<vmem>>) target(%dma_start3A_104 : memref<10240x128xf32, #tpu.memory_space<vmem_shared>>) offsets(%dma_start3A_101 : memref<128xi32, #tpu.memory_space<vmem>>) semaphore(%run_scoped3A_98 : memref<!tpu.dma_semaphore, #tpu.memory_space<semaphore_mem>>) {add = true}
        %dma_wait3A_105 = arith.constant 0 : i32
        %dma_wait3A_106 = tpu.memref_slice %arg8[%run_scoped3A, %dma_wait3A_105] : memref<16x128xi32, #tpu.memory_space<vmem>> -> memref<1x128xi32, #tpu.memory_space<vmem>>
        %dma_wait3A_107 = tpu.memref_squeeze %dma_wait3A_106 : memref<1x128xi32, #tpu.memory_space<vmem>> -> memref<128xi32, #tpu.memory_space<vmem>>
        %dma_wait3A_108 = arith.constant 0 : i32
        %dma_wait3A_109 = arith.constant 0 : i32
        %dma_wait3A_110 = tpu.memref_slice %arg6[%dma_wait3A_108, %dma_wait3A_109] : memref<10240x128xf32, #tpu.memory_space<vmem_shared>> -> memref<10240x128xf32, #tpu.memory_space<vmem_shared>>
        tpu.wait_indirect_dma semaphore(%run_scoped3A_98 : memref<!tpu.dma_semaphore, #tpu.memory_space<semaphore_mem>>) src(%arg10 : memref<128x128xf32, #tpu.memory_space<vmem>>) dst(%dma_wait3A_110 : memref<10240x128xf32, #tpu.memory_space<vmem_shared>>)
        tpu.yield
      }) : () -> ()
      %scan3A_97 = arith.constant 0 : i32
      scf.yield %scan3A_97 : i32
    }
    %scan3A_34 = arith.constant 10 : i32
    %barrier3A_35 = arith.constant 0 : index
    tpu.barrier barrier_id(%barrier3A_35)
    %mul3A_36 = arith.constant 640 : i32
    %mul3A_37 = arith.muli %arg1, %mul3A_36 : i32
    %add3A_38 = arith.constant 0 : i32
    %add3A_39 = arith.addi %mul3A_37, %add3A_38 : i32
    %mul3A_40 = arith.constant 10240 : i32
    %mul3A_41 = arith.muli %arg0, %mul3A_40 : i32
    %add3A_42 = arith.addi %mul3A_41, %add3A_39 : i32
    "tpu.region"() ({
      %run_scoped3A = tpu.sem_alloc : memref<!tpu.dma_semaphore, #tpu.memory_space<semaphore_mem>>
      %dma_start3A = arith.constant 0 : i32
      %dma_start3A_71 = tpu.memref_slice %arg5[%add3A_42, %dma_start3A] : memref<20480x128xf32, #tpu.memory_space<hbm>> -> memref<128x128xf32, #tpu.memory_space<hbm>>
      %dma_start3A_72 = arith.constant 0 : i32
      %dma_start3A_73 = tpu.memref_slice %arg6[%add3A_39, %dma_start3A_72] : memref<10240x128xf32, #tpu.memory_space<vmem_shared>> -> memref<128x128xf32, #tpu.memory_space<vmem_shared>>
      tpu.enqueue_dma source(%dma_start3A_73 : memref<128x128xf32, #tpu.memory_space<vmem_shared>>) target(%dma_start3A_71 : memref<128x128xf32, #tpu.memory_space<hbm>>) target_semaphore(%run_scoped3A : memref<!tpu.dma_semaphore, #tpu.memory_space<semaphore_mem>>)
      %dma_wait3A = arith.constant 0 : i32
      %dma_wait3A_74 = tpu.memref_slice %arg5[%add3A_42, %dma_wait3A] : memref<20480x128xf32, #tpu.memory_space<hbm>> -> memref<128x128xf32, #tpu.memory_space<hbm>>
      %dma_wait3A_75 = arith.constant 0 : i32
      %dma_wait3A_76 = tpu.memref_slice %arg6[%add3A_39, %dma_wait3A_75] : memref<10240x128xf32, #tpu.memory_space<vmem_shared>> -> memref<128x128xf32, #tpu.memory_space<vmem_shared>>
      tpu.wait_dma2 semaphore(%run_scoped3A : memref<!tpu.dma_semaphore, #tpu.memory_space<semaphore_mem>>) src(%dma_wait3A_76 : memref<128x128xf32, #tpu.memory_space<vmem_shared>>) dst(%dma_wait3A_74 : memref<128x128xf32, #tpu.memory_space<hbm>>)
      tpu.yield
    }) : () -> ()
    %mul3A_43 = arith.constant 640 : i32
    %mul3A_44 = arith.muli %arg1, %mul3A_43 : i32
    %add3A_45 = arith.constant 128 : i32
    %add3A_46 = arith.addi %mul3A_44, %add3A_45 : i32
    %mul3A_47 = arith.constant 10240 : i32
    %mul3A_48 = arith.muli %arg0, %mul3A_47 : i32
    %add3A_49 = arith.addi %mul3A_48, %add3A_46 : i32
    "tpu.region"() ({
      %run_scoped3A = tpu.sem_alloc : memref<!tpu.dma_semaphore, #tpu.memory_space<semaphore_mem>>
      %dma_start3A = arith.constant 0 : i32
      %dma_start3A_71 = tpu.memref_slice %arg5[%add3A_49, %dma_start3A] : memref<20480x128xf32, #tpu.memory_space<hbm>> -> memref<128x128xf32, #tpu.memory_space<hbm>>
      %dma_start3A_72 = arith.constant 0 : i32
      %dma_start3A_73 = tpu.memref_slice %arg6[%add3A_46, %dma_start3A_72] : memref<10240x128xf32, #tpu.memory_space<vmem_shared>> -> memref<128x128xf32, #tpu.memory_space<vmem_shared>>
      tpu.enqueue_dma source(%dma_start3A_73 : memref<128x128xf32, #tpu.memory_space<vmem_shared>>) target(%dma_start3A_71 : memref<128x128xf32, #tpu.memory_space<hbm>>) target_semaphore(%run_scoped3A : memref<!tpu.dma_semaphore, #tpu.memory_space<semaphore_mem>>)
      %dma_wait3A = arith.constant 0 : i32
      %dma_wait3A_74 = tpu.memref_slice %arg5[%add3A_49, %dma_wait3A] : memref<20480x128xf32, #tpu.memory_space<hbm>> -> memref<128x128xf32, #tpu.memory_space<hbm>>
      %dma_wait3A_75 = arith.constant 0 : i32
      %dma_wait3A_76 = tpu.memref_slice %arg6[%add3A_46, %dma_wait3A_75] : memref<10240x128xf32, #tpu.memory_space<vmem_shared>> -> memref<128x128xf32, #tpu.memory_space<vmem_shared>>
      tpu.wait_dma2 semaphore(%run_scoped3A : memref<!tpu.dma_semaphore, #tpu.memory_space<semaphore_mem>>) src(%dma_wait3A_76 : memref<128x128xf32, #tpu.memory_space<vmem_shared>>) dst(%dma_wait3A_74 : memref<128x128xf32, #tpu.memory_space<hbm>>)
      tpu.yield
    }) : () -> ()
    %mul3A_50 = arith.constant 640 : i32
    %mul3A_51 = arith.muli %arg1, %mul3A_50 : i32
    %add3A_52 = arith.constant 256 : i32
    %add3A_53 = arith.addi %mul3A_51, %add3A_52 : i32
    %mul3A_54 = arith.constant 10240 : i32
    %mul3A_55 = arith.muli %arg0, %mul3A_54 : i32
    %add3A_56 = arith.addi %mul3A_55, %add3A_53 : i32
    "tpu.region"() ({
      %run_scoped3A = tpu.sem_alloc : memref<!tpu.dma_semaphore, #tpu.memory_space<semaphore_mem>>
      %dma_start3A = arith.constant 0 : i32
      %dma_start3A_71 = tpu.memref_slice %arg5[%add3A_56, %dma_start3A] : memref<20480x128xf32, #tpu.memory_space<hbm>> -> memref<128x128xf32, #tpu.memory_space<hbm>>
      %dma_start3A_72 = arith.constant 0 : i32
      %dma_start3A_73 = tpu.memref_slice %arg6[%add3A_53, %dma_start3A_72] : memref<10240x128xf32, #tpu.memory_space<vmem_shared>> -> memref<128x128xf32, #tpu.memory_space<vmem_shared>>
      tpu.enqueue_dma source(%dma_start3A_73 : memref<128x128xf32, #tpu.memory_space<vmem_shared>>) target(%dma_start3A_71 : memref<128x128xf32, #tpu.memory_space<hbm>>) target_semaphore(%run_scoped3A : memref<!tpu.dma_semaphore, #tpu.memory_space<semaphore_mem>>)
      %dma_wait3A = arith.constant 0 : i32
      %dma_wait3A_74 = tpu.memref_slice %arg5[%add3A_56, %dma_wait3A] : memref<20480x128xf32, #tpu.memory_space<hbm>> -> memref<128x128xf32, #tpu.memory_space<hbm>>
      %dma_wait3A_75 = arith.constant 0 : i32
      %dma_wait3A_76 = tpu.memref_slice %arg6[%add3A_53, %dma_wait3A_75] : memref<10240x128xf32, #tpu.memory_space<vmem_shared>> -> memref<128x128xf32, #tpu.memory_space<vmem_shared>>
      tpu.wait_dma2 semaphore(%run_scoped3A : memref<!tpu.dma_semaphore, #tpu.memory_space<semaphore_mem>>) src(%dma_wait3A_76 : memref<128x128xf32, #tpu.memory_space<vmem_shared>>) dst(%dma_wait3A_74 : memref<128x128xf32, #tpu.memory_space<hbm>>)
      tpu.yield
    }) : () -> ()
    %mul3A_57 = arith.constant 640 : i32
    %mul3A_58 = arith.muli %arg1, %mul3A_57 : i32
    %add3A_59 = arith.constant 384 : i32
    %add3A_60 = arith.addi %mul3A_58, %add3A_59 : i32
    %mul3A_61 = arith.constant 10240 : i32
    %mul3A_62 = arith.muli %arg0, %mul3A_61 : i32
    %add3A_63 = arith.addi %mul3A_62, %add3A_60 : i32
    "tpu.region"() ({
      %run_scoped3A = tpu.sem_alloc : memref<!tpu.dma_semaphore, #tpu.memory_space<semaphore_mem>>
      %dma_start3A = arith.constant 0 : i32
      %dma_start3A_71 = tpu.memref_slice %arg5[%add3A_63, %dma_start3A] : memref<20480x128xf32, #tpu.memory_space<hbm>> -> memref<128x128xf32, #tpu.memory_space<hbm>>
      %dma_start3A_72 = arith.constant 0 : i32
      %dma_start3A_73 = tpu.memref_slice %arg6[%add3A_60, %dma_start3A_72] : memref<10240x128xf32, #tpu.memory_space<vmem_shared>> -> memref<128x128xf32, #tpu.memory_space<vmem_shared>>
      tpu.enqueue_dma source(%dma_start3A_73 : memref<128x128xf32, #tpu.memory_space<vmem_shared>>) target(%dma_start3A_71 : memref<128x128xf32, #tpu.memory_space<hbm>>) target_semaphore(%run_scoped3A : memref<!tpu.dma_semaphore, #tpu.memory_space<semaphore_mem>>)
      %dma_wait3A = arith.constant 0 : i32
      %dma_wait3A_74 = tpu.memref_slice %arg5[%add3A_63, %dma_wait3A] : memref<20480x128xf32, #tpu.memory_space<hbm>> -> memref<128x128xf32, #tpu.memory_space<hbm>>
      %dma_wait3A_75 = arith.constant 0 : i32
      %dma_wait3A_76 = tpu.memref_slice %arg6[%add3A_60, %dma_wait3A_75] : memref<10240x128xf32, #tpu.memory_space<vmem_shared>> -> memref<128x128xf32, #tpu.memory_space<vmem_shared>>
      tpu.wait_dma2 semaphore(%run_scoped3A : memref<!tpu.dma_semaphore, #tpu.memory_space<semaphore_mem>>) src(%dma_wait3A_76 : memref<128x128xf32, #tpu.memory_space<vmem_shared>>) dst(%dma_wait3A_74 : memref<128x128xf32, #tpu.memory_space<hbm>>)
      tpu.yield
    }) : () -> ()
    %mul3A_64 = arith.constant 640 : i32
    %mul3A_65 = arith.muli %arg1, %mul3A_64 : i32
    %add3A_66 = arith.constant 512 : i32
    %add3A_67 = arith.addi %mul3A_65, %add3A_66 : i32
    %mul3A_68 = arith.constant 10240 : i32
    %mul3A_69 = arith.muli %arg0, %mul3A_68 : i32
    %add3A_70 = arith.addi %mul3A_69, %add3A_67 : i32
    "tpu.region"() ({
      %run_scoped3A = tpu.sem_alloc : memref<!tpu.dma_semaphore, #tpu.memory_space<semaphore_mem>>
      %dma_start3A = arith.constant 0 : i32
      %dma_start3A_71 = tpu.memref_slice %arg5[%add3A_70, %dma_start3A] : memref<20480x128xf32, #tpu.memory_space<hbm>> -> memref<128x128xf32, #tpu.memory_space<hbm>>
      %dma_start3A_72 = arith.constant 0 : i32
      %dma_start3A_73 = tpu.memref_slice %arg6[%add3A_67, %dma_start3A_72] : memref<10240x128xf32, #tpu.memory_space<vmem_shared>> -> memref<128x128xf32, #tpu.memory_space<vmem_shared>>
      tpu.enqueue_dma source(%dma_start3A_73 : memref<128x128xf32, #tpu.memory_space<vmem_shared>>) target(%dma_start3A_71 : memref<128x128xf32, #tpu.memory_space<hbm>>) target_semaphore(%run_scoped3A : memref<!tpu.dma_semaphore, #tpu.memory_space<semaphore_mem>>)
      %dma_wait3A = arith.constant 0 : i32
      %dma_wait3A_74 = tpu.memref_slice %arg5[%add3A_70, %dma_wait3A] : memref<20480x128xf32, #tpu.memory_space<hbm>> -> memref<128x128xf32, #tpu.memory_space<hbm>>
      %dma_wait3A_75 = arith.constant 0 : i32
      %dma_wait3A_76 = tpu.memref_slice %arg6[%add3A_67, %dma_wait3A_75] : memref<10240x128xf32, #tpu.memory_space<vmem_shared>> -> memref<128x128xf32, #tpu.memory_space<vmem_shared>>
      tpu.wait_dma2 semaphore(%run_scoped3A : memref<!tpu.dma_semaphore, #tpu.memory_space<semaphore_mem>>) src(%dma_wait3A_76 : memref<128x128xf32, #tpu.memory_space<vmem_shared>>) dst(%dma_wait3A_74 : memref<128x128xf32, #tpu.memory_space<hbm>>)
      tpu.yield
    }) : () -> ()
    return
  }
}

module attributes {stable_mosaic.version = 14 : i64} {
  func.func @_matmul_body(%arg0: i32, %arg1: memref<10240x128xbf16, #tpu.memory_space<vmem>>, %arg2: memref<1x128x128xbf16, #tpu.memory_space<vmem>>, %arg3: memref<1x10240x128xf32, #tpu.memory_space<vmem>>) attributes {dimension_semantics = [#tpu.dimension_semantics<arbitrary>], iteration_bounds = array<i64: 64>, scalar_prefetch = 0 : i64, scratch_operands = 0 : i64, tpu.core_type = #tpu.core_type<tc>, window_params = [{pipeline_mode = #tpu.pipeline_mode<synchronous>, transform_indices = @transform_0, window_bounds = array<i64: 10240, 128>}, {transform_indices = @transform_1, window_bounds = array<i64: 1, 128, 128>}, {transform_indices = @transform_2, window_bounds = array<i64: 1, 10240, 128>}]} {
    %get3A = arith.constant 0 : index
    %get3A_0 = arith.constant 0 : index
    %get3A_1 = vector.load %arg1[%get3A, %get3A_0] : memref<10240x128xbf16, #tpu.memory_space<vmem>>, vector<10240x128xbf16>
    %get3A_2 = arith.constant 0 : index
    %get3A_3 = arith.constant 0 : index
    %get3A_4 = arith.constant 0 : index
    %get3A_5 = vector.load %arg2[%get3A_2, %get3A_3, %get3A_4] : memref<1x128x128xbf16, #tpu.memory_space<vmem>>, vector<1x128x128xbf16>
    %get3A_6 = vector.shape_cast %get3A_5 : vector<1x128x128xbf16> to vector<128x128xbf16>
    %dot_general3A = arith.constant dense<0.000000e+00> : vector<10240x128xf32>
    %dot_general3A_7 = tpu.matmul %get3A_1, %get3A_6, %dot_general3A {dimension_numbers = #tpu.dot_dimension_numbers<[1], [0], [0], [1], [0, 0, 1, 1], [], []>, transpose_lhs_hint = false} : vector<10240x128xbf16>, vector<128x128xbf16>, vector<10240x128xf32> -> vector<10240x128xf32>
    %swap3A = arith.constant 0 : index
    %swap3A_8 = arith.constant 0 : index
    %swap3A_9 = arith.constant 0 : index
    %swap3A_10 = vector.load %arg3[%swap3A, %swap3A_8, %swap3A_9] : memref<1x10240x128xf32, #tpu.memory_space<vmem>>, vector<1x10240x128xf32>
    %swap3A_11 = vector.shape_cast %swap3A_10 : vector<1x10240x128xf32> to vector<10240x128xf32>
    %swap3A_12 = vector.shape_cast %dot_general3A_7 : vector<10240x128xf32> to vector<1x10240x128xf32>
    tpu.vector_store %arg3[%swap3A, %swap3A_8, %swap3A_9], %swap3A_12 {strides = array<i32>} : memref<1x10240x128xf32, #tpu.memory_space<vmem>>, vector<1x10240x128xf32>,
    return
  }
  func.func @transform_0(%arg0: i32) -> (i32, i32) {
    %c0_i32 = arith.constant 0 : i32
    %c0_i32_0 = arith.constant 0 : i32
    %c0_i32_1 = arith.constant 0 : i32
    return %c0_i32, %c0_i32_0 : i32, i32
  }
  func.func @transform_1(%arg0: i32) -> (i32, i32, i32) {
    %c0_i32 = arith.constant 0 : i32
    %c0_i32_0 = arith.constant 0 : i32
    %c0_i32_1 = arith.constant 0 : i32
    return %arg0, %c0_i32, %c0_i32_0 : i32, i32, i32
  }
  func.func @transform_2(%arg0: i32) -> (i32, i32, i32) {
    %c0_i32 = arith.constant 0 : i32
    %c0_i32_0 = arith.constant 0 : i32
    %c0_i32_1 = arith.constant 0 : i32
    return %arg0, %c0_i32, %c0_i32_0 : i32, i32, i32
  }
}

</mosaic_0001>

<sc_bundles>
// kernel: kernel.4.cloned.1.call-start
scs
__scs_entry_jumppad:
0x0: {  	(pc) =	sbr.rel $0x88, $3  }
0x1: {  	(tag) =	ssettag $0x0;
	lr =	simm.s32 $0x1  }
0x2: {  	[smem:$0x3F9D] =	sst lr;
	_ =	strace $0xD0000000  }
0x3: {  	_ = 	snop  }
0x4: {  	_ = 	snop  }
0x5: {  	_ = 	snop  }
0x6: {  	_ = 	snop  }
0x7: {  	_ = 	snop  }
__scs_overlays_trampoline_lowered:
0x8: {  	[smem:$0x3FAC] =	sst s0  }
0x9: {  	[smem:$0x3FAD] =	sst s1  }
0xa: {  	[smem:$0x3FAE] =	sst s2  }
0xb: {  	[smem:$0x3FAF] =	sst s3  }
0xc: {  	[smem:$0x3FB0] =	sst s4  }
0xd: {  	[smem:$0x3FB1] =	sst s5  }
0xe: {  	[smem:$0x3FB2] =	sst s6  }
0xf: {  	[smem:$0x3FB3] =	sst s7  }
0x10: {  	[smem:$0x3FB4] =	sst s8  }
0x11: {  	[smem:$0x3FB5] =	sst s9;
	s0 =	simm.s32 @!p0 $0x0  }
0x12: {  	s1 =	sld [smem:$0x3F9B];
	s0 =	simm.s32 @p0 $0x1  }
0x13: {  	[smem:$0x3FB6] =	sst s0;
	s0 =	simm.s32 @!p1 $0x0  }
0x14: {  	s2 =	sld [smem:$0x3F9A];
	s0 =	simm.s32 @p1 $0x1  }
0x15: {  	[smem:$0x3FB7] =	sst s0;
	s0 =	simm.s32 @!p2 $0x0  }
0x16: {  	s3 =	sld [smem:$0x3FDB];
	s0 =	simm.s32 @p2 $0x1  }
0x17: {  	s4 =	simm.s32 $0x1BF5;
	[smem:$0x3FB9] =	sst s0  }
0x18: {  	s0 =	sld [smem:$0x3F9C];
	_ =	swait.ge [sflag:s4], $0x0  }
0x19: {  	s7 =	sld [smem:$0x3F9D]  }
0x1a: {  	s8 =	sadd.s32 $0xFFFFE003, lr  }
0x1b: {  	s9 =	sadd.s32 $0xFFFFFEF7, lr;
	s5 =	simm.s32 $0xFFFFFFFF;
	p2 =	slt.u32 s8, $0xFFFFF086  }
0x1c: {  	p1 =	slt.u32 s9, $0xF7A;
	s5 =	simm.s32 @!p2 $0x0  }
0x1d: {  	s5 =	simm.s32 @p1 $0x1;
	p0 =	seq.s32 s7, s2  }
0x1e: {  	s7 =	smul.u32 @!p0 $0xF7A, s2;
	p2 =	seq.s32 @!p0 s5, $0x0  }
0x1f: {  	s9 =	smul.u32 $0xF7A, s1;
	s8 =	simm.s32 @!p0 $0x1BF5;
	p2 =	por !p2, p0  }
0x20: {  	[sflag:s8] =	ssyncset.s32 @!p0 $0xFFFFF086;
	s6 =	sadd.s32 @!p0 s3, s7;
	s7 =	simm.s32 @!p0 $0x108  }
0x21: {  	s3 =	sadd.s32 s3, s9;
	s6 =	sadd.s32 @!p0 $0x88, s6;
	s7 =	simm.s32 @p2 $0x1082  }
0x22: {  	[simem:s7], [sflag:s8] =	dma.local @!p0 [hbm:s6], $0xF7A  }
0x23: {  	s9 =	sor.u32 $0xD0000000, s2;
	s6 =	simm.s32 $0x108;
	_ =	swait.ge @!p0 [sflag:s8], $0x0  }
0x24: {  	s3 =	sadd.s32 $0x88, s3;
	s6 =	simm.s32 @!p1 $0x1082;
	[sflag:s4] =	ssyncset.s32 $0xFFFFF086  }
0x25: {  	[simem:s6], [sflag:s4] =	dma.local [hbm:s3], $0xF7A  }
0x26: {  	[smem:$0x3F9D] =	sst s1;
	(tag) =	ssettag s2;
	_ =	strace s9  }
0x27: {  	s1 =	sld [smem:$0x3FAD]  }
0x28: {  	s2 =	sld [smem:$0x3FAE]  }
0x29: {  	s4 =	sld [smem:$0x3FB0]  }
0x2a: {  	p0 =	seq.s32 s5, $0x0;
	s5 =	sld [smem:$0x3FB1]  }
0x2b: {  	s6 =	sld [smem:$0x3FB2]  }
0x2c: {  	s7 =	sld [smem:$0x3FB3]  }
0x2d: {  	s3 =	simm.s32 $0x108;
	s8 =	sld [smem:$0x3FB4]  }
0x2e: {  	s3 =	simm.s32 @!p0 $0x1082;
	s9 =	sld [smem:$0x3FB5]  }
0x2f: {  	lr =	sadd.s32 s0, s3;
	s0 =	sld [smem:$0x3FAC]  }
0x30: {  	s3 =	sld [smem:$0x3FAF]  }
0x31: {  	[smem:$0x3FB8] =	sst s10  }
0x32: {  	s10 =	sld [smem:$0x3FB6];
	_ =	sdelay $0x3  }
0x33: {  	p0 =	seq.s32 s10, $0x1;
	s10 =	sld [smem:$0x3FB8];
	_ =	sdelay $0x3  }
0x34: {  	[smem:$0x3FB8] =	sst s10  }
0x35: {  	s10 =	sld [smem:$0x3FB7];
	_ =	sdelay $0x3  }
0x36: {  	p1 =	seq.s32 s10, $0x1;
	s10 =	sld [smem:$0x3FB8];
	_ =	sdelay $0x3  }
0x37: {  	[smem:$0x3FB8] =	sst s10  }
0x38: {  	s10 =	sld [smem:$0x3FB9]  }
0x39: {  	_ = 	snop;
	(pc) =	sbr.ind lr, $3  }
0x3a: {  	_ = 	snop  }
0x3b: {  	_ = 	snop  }
0x3c: {  	p2 =	seq.s32 s10, $0x1;
	s10 =	sld [smem:$0x3FB8]  }
0x3d: {  	_ =	shalt  }
0x3e: {  	_ =	shalt  }
0x3f: {  	_ =	shalt  }
0x40: {  	_ =	shalt  }
0x41: {  	_ =	shalt  }
0x42: {  	_ =	shalt  }
0x43: {  	_ =	shalt  }
0x44: {  	_ =	shalt  }
0x45: {  	_ =	shalt  }
0x46: {  	_ =	shalt  }
0x47: {  	_ =	shalt  }
0x48: {  	_ =	shalt  }
0x49: {  	_ =	shalt  }
0x4a: {  	_ =	shalt  }
0x4b: {  	_ =	shalt  }
0x4c: {  	_ =	shalt  }
0x4d: {  	_ =	shalt  }
0x4e: {  	_ =	shalt  }
0x4f: {  	_ =	shalt  }
0x50: {  	_ =	shalt  }
0x51: {  	_ =	shalt  }
0x52: {  	_ =	shalt  }
0x53: {  	_ =	shalt  }
0x54: {  	_ =	shalt  }
0x55: {  	_ =	shalt  }
0x56: {  	_ =	shalt  }
0x57: {  	_ =	shalt  }
0x58: {  	_ =	shalt  }
0x59: {  	_ =	shalt  }
0x5a: {  	_ =	shalt  }
0x5b: {  	_ =	shalt  }
0x5c: {  	_ =	shalt  }
0x5d: {  	_ =	shalt  }
0x5e: {  	_ =	shalt  }
0x5f: {  	_ =	shalt  }
0x60: {  	_ =	shalt  }
0x61: {  	_ =	shalt  }
0x62: {  	_ =	shalt  }
0x63: {  	_ =	shalt  }
0x64: {  	_ =	shalt  }
0x65: {  	_ =	shalt  }
0x66: {  	_ =	shalt  }
0x67: {  	_ =	shalt  }
0x68: {  	_ =	shalt  }
0x69: {  	_ =	shalt  }
0x6a: {  	_ =	shalt  }
0x6b: {  	_ =	shalt  }
0x6c: {  	_ =	shalt  }
0x6d: {  	_ =	shalt  }
0x6e: {  	_ =	shalt  }
0x6f: {  	_ =	shalt  }
0x70: {  	_ =	shalt  }
0x71: {  	_ =	shalt  }
0x72: {  	_ =	shalt  }
0x73: {  	_ =	shalt  }
0x74: {  	_ =	shalt  }
0x75: {  	_ =	shalt  }
0x76: {  	_ =	shalt  }
0x77: {  	_ =	shalt  }
0x78: {  	_ =	shalt  }
0x79: {  	_ =	shalt  }
0x7a: {  	_ =	shalt  }
0x7b: {  	_ =	shalt  }
0x7c: {  	_ =	shalt  }
0x7d: {  	_ =	shalt  }
0x7e: {  	_ =	shalt  }
0x7f: {  	_ =	shalt  }
0x80: {  	_ =	shalt  }
0x81: {  	_ =	shalt  }
0x82: {  	_ =	shalt  }
0x83: {  	_ =	shalt  }
0x84: {  	_ =	shalt  }
0x85: {  	_ =	shalt  }
0x86: {  	_ =	shalt  }
0x87: {  	_ =	shalt  }
.Lfunc_end0:
.L_simem_size_0:
called_computation_lowered:
.L_overlay_start_0:
0x88: {  	s0 =	sld [smem:$0x3FD9]  }
0x89: {  	s1 =	sld [smem:$0x3FFE];
	_ =	sdelay $0x3  }
0x8a: {  	s0 =	sadd.s32 s1, s0  }
0x8b: {  	[smem:$0x3FC4] =	sst s0  }
0x8c: {  	_ = 	snop  }
0x8d: {  	(tm) =	ssettm $0x1  }
0x8e: {  	s15 =	sld [smem:$0x3FFB];
	_ =	sdelay $0x3  }
0x8f: {  	_ =	strace s15  }
0x90: {  	s0 =	sld [smem:$0x3FFC];
	_ =	sdelay $0x3  }
0x91: {  	_ =	strace s0  }
0x92: {  	s0 =	sld [smem:$0x3FFD];
	_ =	sdelay $0x3  }
0x93: {  	_ =	strace s0  }
0x94: {  	_ =	strace $0x8FFFFFFF  }
0x95: {  	s16 =	sld [smem:$0x3FDB];
	_ =	sdelay $0x1  }
0x96: {  	s17 =	simm.s32 $_scs_section_size  }
0x97: {  	s2 =	simm.s32 $_size__tile_overlayer_lowered;
	s3 =	simm.s32 $_tile_overlayer_lowered  }
0x98: {  	s20 =	simm.s32 $0x1BFF;
	s19 =	sshll.u32 s3, $0x1;
	s0 =	sadd.s32 s17, s16  }
0x99: {  	s4 =	simm.s32 $0x0;
	s18 =	sshll.u32 s2, $0x1;
	s2 =	sadd.s32 s19, s0  }
0x9a: {  	[timem:s4], [sflag:s20] =	dma.local [hbm:s2], s18  }
0x9b: {  	_ =	swait.ge [sflag:s20], s18  }
0x9c: {  	s1 =	ssub.s32 $0x0, s18;
	[sflag:s20] =	ssyncset.done $0x0  }
0x9d: {  	[sflag:s20] =	ssyncadd.s32 s1;
	_ =	sdelay $0x1  }
0x9e: {  	s21 =	simm.s32 $0x1B8B  }
0x9f: {  	_ =	swait.ge [sflag:s21], $0x1  }
0xa0: {  	[sflag:s21] =	ssyncset.done $0x0  }
0xa1: {  	s23 =	simm.s32 $0x1B8E;
	s22 =	sld [smem:$0x3FFE];
	[sflag:s21] =	ssyncadd.s32 $0xFFFFFFFF  }
0xa2: {  	s24 =	simm.s32 $execute0_lowered;
	[smem:$0x3FD2] =	sst s23  }
0xa3: {  	s2 =	sshll.u32 s24, $0x1;
	_ =	strace $0x80000046;
	[dreg:$0x1] =	wrdreg $0xFFFFFFFF  }
0xa4: {  	s25 =	simm.s32 $_size_execute0_lowered;
	s0 =	sadd.s32 s0, s2;
	[dreg:$0x0] =	wrdreg $0x0  }
0xa5: {  	s2 =	sshll.u32 s25, $0x1;
	[dreg:$0x2] =	wrdreg s0  }
0xa6: {  	[dreg:$0x3] =	wrdreg s2  }
0xa7: {  	[dreg:$0x4] =	wrdreg $0xC0  }
0xa8: {  	_ =	task [dreg:s4], $0x5FFFF  }
0xa9: {  	[dreg:$0x1] =	wrdreg $0xFFFFFFFF  }
0xaa: {  	[dreg:$0x0] =	wrdreg $0x60  }
0xab: {  	[dreg:$0x2] =	wrdreg s22  }
0xac: {  	[dreg:$0x3] =	wrdreg $0x0  }
0xad: {  	[dreg:$0x4] =	wrdreg $0x9  }
0xae: {  	_ =	task.clear_ibuf [dreg:s4], $0x5FFFF;
	_ =	strace $0x90000046  }
0xaf: {  	s26 =	simm.s32 $0x9;
	_ =	strace $0x80000048  }
0xb0: {  	_ =	swait.ge [sflag:s26], $0x1  }
0xb1: {  	[sflag:s26] =	ssyncadd.s32 $0xFFFFFFFF  }
0xb2: {  	_ =	strace $0x90000048  }
0xb3: {  	_ =	sfence  }
0xb4: {  	s28 =	sld [smem:$0x0];
	_ =	sdelay $0x1  }
0xb5: {  	s29 =	srdreg.scid  }
0xb6: {  	s30 =	sshll.u32 s29, $0xD;
	s31 =	sshrl.u32 s29, $0x2  }
0xb7: {  	s1 =	sand.u32 $0x1, s29;
	s2 =	sand.u32 $0x4000, s30;
	s0 =	sadd.s32 s31, s28  }
0xb8: {  	s1 =	sor.u32 s2, s1;
	s0 =	sshll.u32 s0, $0x11  }
0xb9: {  	s0 =	sor.u32 s0, s1  }
0xba: {  	s0 =	sadd.s32 $0x8F2B, s0  }
0xbb: {  	[sflag:s0] =	ssyncadd.remote.s32 $0x1  }
0xbc: {  	_ =	sfence.sel $0xFFFF  }
0xbd: {  	[dreg:$0x0] =	wrdreg $0xFFFFFFFF;
	(pc) =	sbr.abs _section_cstart, $3  }
0xbe: {  	[dreg:$0x1] =	wrdreg $0xFFFFFFFF  }
0xbf: {  	_ =	task.clear_ibuf [dreg:s4], $0x2FFFF;
	_ =	strace $0x9FFFFFFF  }
0xc0: {  	(tm) =	ssettm $0x7FFFFFFF  }
0xc1: {  	_ =	shalt  }
tec
execute0_lowered:
.L_overlay_start_1:
0x0: {  	(tag) =	ssettag $0x1  }
0x1: {  	s1 =	rddreg [dreg:$0x0]  }
0x2: {  	s3 =	rddreg [dreg:$0x1];
	s2 =	simm.s32 $0x0  }
0x3: {  	s7 =	simm.s32 $0x0;
	s8 =	simm.s32 $0x200;
	[smem:$0x7FF] =	sst s2  }
0x4: {  	s4 =	sadd.s32 $0x28400, s1;
	s5 =	sadd.s32 $0x14400, s1;
	s6 =	sadd.s32 $0x400, s1  }
0x5: {  	v0 =	vimm.f32 $0.0e+00;
	s2 =	sadd.s32 $0xA28400, s1;
	s1 =	stileid.u32;
	_ =	strace $0x80000047  }
.LBB2_1:
0x6: {  	p0 =	sne.s32 s8, $0xFE00;
	[tilespmem:s7+$0x15070] =	vst v0  }
0x7: {  	[tilespmem:s7+$0x15000] =	vst v0  }
0x8: {  	[tilespmem:s7+$0x15010] =	vst v0  }
.Ltmp0:
0x9: {  	[tilespmem:s7+$0x15020] =	vst v0;
	(pc) =	sbr.rel @p0 .LBB2_1-.Ltmp0, $4  }
0xa: {  	[tilespmem:s7+$0x15030] =	vst v0  }
0xb: {  	[tilespmem:s7+$0x15040] =	vst v0  }
0xc: {  	[tilespmem:s7+$0x15050] =	vst v0  }
0xd: {  	[tilespmem:s7+$0x15060] =	vst v0;
	s7 =	sshra.s32 s8, $0x2;
	s8 =	sadd.s32 $0x200, s8  }
0xe: {  	[tilespmem:s7+$0x15070] =	vst v0  }
0xf: {  	[tilespmem:s7+$0x15000] =	vst v0  }
0x10: {  	[tilespmem:s7+$0x15010] =	vst v0  }
0x11: {  	[tilespmem:s7+$0x15020] =	vst v0  }
0x12: {  	[tilespmem:s7+$0x15030] =	vst v0;
	s8 =	smul.u32 $0x50000, s1  }
0x13: {  	[tilespmem:s7+$0x15040] =	vst v0  }
0x14: {  	[tilespmem:s7+$0x15050] =	vst v0;
	s14 =	smul.u32 $0x280, s1;
	s8 =	sshrl.u32 s8, $0x2  }
0x15: {  	[tilespmem:s7+$0x15060] =	vst v0;
	s16 =	simm.s32 $0x15000;
	s17 =	simm.s32 $0x3;
	s7 =	sadd.s32 s8, s3  }
0x16: {  	[spmem:s7] =	stream.linear.scatter [tilespmem:s16], [sflag:$0x3], $0x4000, $0x38;
	[tilespmem:$0x1D000] =	vst v63  }
0x17: {  	s8 =	sadd.s32 $0x80, s14;
	_ =	swait.ge [sflag:s17], $0x4000  }
0x18: {  	s9 =	sshll.u32 s8, $0x7;
	[sflag:s17] =	ssyncset.done $0x0  }
0x19: {  	s9 =	sadd.s32 s9, s3;
	[sflag:s17] =	ssyncadd.s32 $0xFFFFC000  }
0x1a: {  	[spmem:s9] =	stream.linear.scatter [tilespmem:s16], [sflag:$0x3], $0x4000, $0x38;
	[tilespmem:$0x1D000] =	vst v63  }
0x1b: {  	s10 =	sadd.s32 $0x100, s14;
	_ =	swait.ge [sflag:s17], $0x4000  }
0x1c: {  	s11 =	sshll.u32 s10, $0x7;
	[sflag:s17] =	ssyncset.done $0x0  }
0x1d: {  	s11 =	sadd.s32 s11, s3;
	[sflag:s17] =	ssyncadd.s32 $0xFFFFC000  }
0x1e: {  	[spmem:s11] =	stream.linear.scatter [tilespmem:s16], [sflag:$0x3], $0x4000, $0x38;
	[tilespmem:$0x1D000] =	vst v63  }
0x1f: {  	s12 =	sadd.s32 $0x180, s14;
	_ =	swait.ge [sflag:s17], $0x4000  }
0x20: {  	s13 =	sshll.u32 s12, $0x7;
	[sflag:s17] =	ssyncset.done $0x0  }
0x21: {  	s13 =	sadd.s32 s13, s3;
	[sflag:s17] =	ssyncadd.s32 $0xFFFFC000  }
0x22: {  	[spmem:s13] =	stream.linear.scatter [tilespmem:s16], [sflag:$0x3], $0x4000, $0x38;
	[tilespmem:$0x1D000] =	vst v63  }
0x23: {  	s14 =	sadd.s32 $0x200, s14;
	_ =	swait.ge [sflag:s17], $0x4000  }
0x24: {  	s15 =	sshll.u32 s14, $0x7;
	[sflag:s17] =	ssyncset.done $0x0  }
0x25: {  	s15 =	sadd.s32 s15, s3;
	[sflag:s17] =	ssyncadd.s32 $0xFFFFC000  }
0x26: {  	[spmem:s15] =	stream.linear.scatter [tilespmem:s16], [sflag:$0x3], $0x4000, $0x38;
	[tilespmem:$0x1D000] =	vst v63  }
0x27: {  	s18 =	smul.u32 $0x5000, s1;
	s19 =	simm.s32 $0x0;
	_ =	swait.ge [sflag:s17], $0x4000  }
0x28: {  	s20 =	simm.s32 $0x14000;
	s21 =	simm.s32 $0x80;
	[sflag:s17] =	ssyncset.done $0x0  }
0x29: {  	s22 =	simm.s32 $0x1;
	s23 =	simm.s32 $0x14F80;
	[sflag:s17] =	ssyncadd.s32 $0xFFFFC000  }
0x2a: {  	s24 =	simm.s32 $0x19000;
	s25 =	simm.s32 $0x0;
	[bflag:$0x0] =	sbarrier.arrive $0xFFFF  }
.LBB2_3:
0x2b: {  	s26 =	sshll.u32 s25, $0xB  }
0x2c: {  	s26 =	sadd.s32 s18, s26  }
0x2d: {  	s26 =	sshrl.u32 s26, $0x3  }
0x2e: {  	s28 =	sadd.s32 s5, s26  }
0x2f: {  	[tilespmem:s20], [sflag:$0x3] =	stream.linear.gather [hbm4b:s28+s19], $0x800, $0x38;
	[tilespmem:$0x1D000] =	vst v63  }
0x30: {  	_ =	swait.ge [sflag:s17], $0x800  }
0x31: {  	[sflag:s17] =	ssyncset.done $0x0  }
0x32: {  	s26 =	sadd.s32 s6, s26;
	s28 =	simm.s32 $0x14800;
	[sflag:s17] =	ssyncadd.s32 $0xFFFFF800  }
0x33: {  	[tilespmem:s28], [sflag:$0x3] =	stream.linear.gather [hbm4b:s26+s19], $0x800, $0x38;
	[tilespmem:$0x1D000] =	vst v63  }
0x34: {  	_ =	swait.ge [sflag:s17], $0x800  }
0x35: {  	[sflag:s17] =	ssyncset.done $0x0  }
0x36: {  	s0 =	sand.u32 $0x1, s19;
	[sflag:s17] =	ssyncadd.s32 $0xFFFFF800  }
0x37: {  	[tilespmem:s16], [sflag:$0x1] =	stream.indirect.gather [hbm4b:s4+s21], $0x80, s20, s21, $0xb8;
	[tilespmem:$0x1D000] =	vst v63  }
0x38: {  	p0 =	seq.s32 s0, $0x1;
	_ =	swait.ge [sflag:s22], $0x4000  }
0x39: {  	s29 =	simm.s32 @p0 $0x80;
	[sflag:s22] =	ssyncset.done $0x0  }
0x3a: {  	s30 =	simm.s32 @p0 $0x15000;
	s26 =	simm.s32 $0x14080;
	[sflag:s22] =	ssyncadd.s32 $0xFFFFC000  }
0x3b: {  	[tilespmem:s30], [sflag:$0x1] =	stream.indirect.gather @p0 [hbm4b:s4+s29], $0x80, s26, s29, $0xb8;
	[tilespmem:$0x1D000] =	vst v63  }
0x3c: {  	s31 =	simm.s32 @!p0 $0x15000;
	s29 =	simm.s32 @!p0 $0x80;
	s30 =	simm.s32 @!p0 $0x19000  }
0x3d: {  	[tilespmem:s30], [sflag:$0x2] =	stream.indirect.gather @!p0 [hbm4b:s4+s29], $0x80, s26, s29, $0xb8;
	[tilespmem:$0x1D000] =	vst v63  }
0x3e: {  	s31 =	simm.s32 @p0 $0x19000  }
0x3f: {  	[spmem:s3] =	stream.indirect.scatter.add.f32 [tilespmem:s31], [sflag:$0x3], $0x80, s28, s21, $0xb8;
	[tilespmem:$0x1D000] =	vst v63  }
0x40: {  	_ =	swait.ge [sflag:s17], $0x4000  }
0x41: {  	s30 =	simm.s32 @!p0 $0x2;
	s29 =	simm.s32 $0x2;
	[sflag:s17] =	ssyncset.done $0x0  }
0x42: {  	s30 =	simm.s32 @p0 $0x1;
	s31 =	simm.s32 $0x1;
	[sflag:s17] =	ssyncadd.s32 $0xFFFFC000  }
0x43: {  	s26 =	simm.s32 $0x14100;
	s28 =	sand.u32 $0x1, s31;
	_ =	swait.ge [sflag:s30], $0x4000  }
0x44: {  	p0 =	seq.s32 s28, $0x1;
	s28 =	simm.s32 $0x14880;
	[sflag:s30] =	ssyncset.done $0x0  }
.LBB2_4:
0x45: {  	s31 =	simm.s32 @p0 $0x80;
	s0 =	simm.s32 @p0 $0x15000;
	[sflag:s30] =	ssyncadd.s32 $0xFFFFC000  }
0x46: {  	[tilespmem:s0], [sflag:$0x1] =	stream.indirect.gather @p0 [hbm4b:s4+s31], $0x80, s26, s31, $0xb8;
	[tilespmem:$0x1D000] =	vst v63  }
0x47: {  	s30 =	simm.s32 @!p0 $0x19000;
	s0 =	simm.s32 @!p0 $0x80;
	s31 =	simm.s32 @!p0 $0x15000  }
0x48: {  	[tilespmem:s30], [sflag:$0x2] =	stream.indirect.gather @!p0 [hbm4b:s4+s0], $0x80, s26, s0, $0xb8;
	[tilespmem:$0x1D000] =	vst v63  }
0x49: {  	s0 =	smov.u32 s29;
	s29 =	sadd.s32 $0x1, s29  }
0x4a: {  	s31 =	simm.s32 @p0 $0x19000;
	p1 =	sne.s32 s29, $0xF  }
0x4b: {  	[spmem:s3] =	stream.indirect.scatter.add.f32 [tilespmem:s31], [sflag:$0x3], $0x80, s28, s21, $0xb8;
	[tilespmem:$0x1D000] =	vst v63  }
.Ltmp1:
0x4c: {  	_ =	swait.ge [sflag:s17], $0x4000;
	(pc) =	sbr.rel @p1 .LBB2_4-.Ltmp1, $4  }
0x4d: {  	s30 =	simm.s32 @!p0 $0x2;
	[sflag:s17] =	ssyncset.done $0x0  }
0x4e: {  	s30 =	simm.s32 @p0 $0x1;
	[sflag:s17] =	ssyncadd.s32 $0xFFFFC000  }
0x4f: {  	s26 =	sadd.s32 $0x80, s26;
	s0 =	sand.u32 $0x1, s0;
	_ =	swait.ge [sflag:s30], $0x4000  }
0x50: {  	p0 =	seq.s32 s0, $0x1;
	s28 =	sadd.s32 $0x80, s28;
	[sflag:s30] =	ssyncset.done $0x0  }
0x51: {  	s0 =	simm.s32 @p0 $0x80;
	s29 =	simm.s32 @p0 $0x15000;
	[sflag:s30] =	ssyncadd.s32 $0xFFFFC000  }
0x52: {  	[tilespmem:s29], [sflag:$0x1] =	stream.indirect.gather @p0 [hbm4b:s4+s0], $0x80, s26, s0, $0xb8;
	[tilespmem:$0x1D000] =	vst v63  }
0x53: {  	s30 =	simm.s32 @!p0 $0x15000;
	s0 =	simm.s32 @!p0 $0x80;
	s29 =	simm.s32 @!p0 $0x19000  }
0x54: {  	[tilespmem:s29], [sflag:$0x2] =	stream.indirect.gather @!p0 [hbm4b:s4+s0], $0x80, s26, s0, $0xb8;
	[tilespmem:$0x1D000] =	vst v63  }
0x55: {  	s30 =	simm.s32 @p0 $0x19000  }
0x56: {  	[spmem:s3] =	stream.indirect.scatter.add.f32 [tilespmem:s30], [sflag:$0x3], $0x80, s28, s21, $0xb8;
	[tilespmem:$0x1D000] =	vst v63  }
0x57: {  	_ =	swait.ge [sflag:s17], $0x4000  }
0x58: {  	s0 =	simm.s32 @!p0 $0x2;
	[sflag:s17] =	ssyncset.done $0x0  }
0x59: {  	s0 =	simm.s32 @p0 $0x1;
	[sflag:s17] =	ssyncadd.s32 $0xFFFFC000  }
0x5a: {  	s25 =	sadd.s32 $0x1, s25;
	_ =	swait.ge [sflag:s0], $0x4000  }
0x5b: {  	p0 =	sne.s32 s25, $0xA;
	[sflag:s0] =	ssyncset.done $0x0  }
.Ltmp2:
0x5c: {  	[sflag:s0] =	ssyncadd.s32 $0xFFFFC000;
	(pc) =	sbr.rel @p0 .LBB2_3-.Ltmp2, $4  }
0x5d: {  	[spmem:s3] =	stream.indirect.scatter.add.f32 [tilespmem:s24], [sflag:$0x3], $0x80, s23, s21, $0xb8;
	[tilespmem:$0x1D000] =	vst v63  }
0x5e: {  	_ =	swait.ge [sflag:s17], $0x4000  }
0x5f: {  	[sflag:s17] =	ssyncset.done $0x0  }
0x60: {  	[sflag:s17] =	ssyncadd.s32 $0xFFFFC000  }
0x61: {  	s0 =	smul.u32 $0x2800, s1  }
0x62: {  	s3 =	sshll.u32 s1, $0x6;
	[bflag:$0x0] =	sbarrier.arrive $0xFFFF;
	s4 =	sshrl.u32 s7, $0x3  }
0x63: {  	s22 =	simm.s32 $0x3;
	s3 =	sor.u32 $0x1C03, s3;
	s0 =	sadd.s32 s2, s0  }
0x64: {  	[hbm:s0], [sflag:s3] =	dma.local [spmem:s4], $0x800  }
0x65: {  	_ =	swait.ge [sflag:s22], $0x800  }
0x66: {  	s23 =	sshll.u32 s8, $0x4;
	[sflag:s22] =	ssyncset.done $0x0  }
0x67: {  	s5 =	sshrl.u32 s9, $0x3;
	s4 =	sadd.s32 s2, s23;
	[sflag:s22] =	ssyncadd.s32 $0xFFFFF800  }
0x68: {  	[hbm:s4], [sflag:s3] =	dma.local [spmem:s5], $0x800  }
0x69: {  	_ =	swait.ge [sflag:s22], $0x800  }
0x6a: {  	s24 =	sshll.u32 s10, $0x4;
	[sflag:s22] =	ssyncset.done $0x0  }
0x6b: {  	s25 =	sshrl.u32 s11, $0x3;
	s4 =	sadd.s32 s2, s24;
	[sflag:s22] =	ssyncadd.s32 $0xFFFFF800  }
0x6c: {  	[hbm:s4], [sflag:s3] =	dma.local [spmem:s25], $0x800  }
0x6d: {  	_ =	swait.ge [sflag:s22], $0x800  }
0x6e: {  	s26 =	sshll.u32 s12, $0x4;
	[sflag:s22] =	ssyncset.done $0x0  }
0x6f: {  	s28 =	sshrl.u32 s13, $0x3;
	s4 =	sadd.s32 s2, s26;
	[sflag:s22] =	ssyncadd.s32 $0xFFFFF800  }
0x70: {  	[hbm:s4], [sflag:s3] =	dma.local [spmem:s28], $0x800  }
0x71: {  	_ =	swait.ge [sflag:s22], $0x800  }
0x72: {  	s29 =	sshll.u32 s14, $0x4;
	[sflag:s22] =	ssyncset.done $0x0  }
0x73: {  	s31 =	sshrl.u32 s15, $0x3;
	s30 =	sadd.s32 s2, s29;
	[sflag:s22] =	ssyncadd.s32 $0xFFFFF800  }
0x74: {  	[hbm:s30], [sflag:s3] =	dma.local [spmem:s31], $0x800  }
0x75: {  	_ =	swait.ge [sflag:s22], $0x800  }
0x76: {  	[sflag:s22] =	ssyncset.done $0x0  }
0x77: {  	[sflag:s22] =	ssyncadd.s32 $0xFFFFF800  }
0x78: {  	_ =	sfence.sel $0x180000  }
0x79: {  	[bflag:$0x0] =	sbarrier.arrive $0xFFFF  }
0x7a: {  	_ =	strace $0x90000047  }
0x7b: {  	[bflag:$0x2] =	sbarrier.arrive $0xFFFF  }
0x7c: {  	p0 =	sne.s32 s1, $0x0;
	s0 =	rddreg [dreg:$0x2]  }
0x7d: {  	s0 =	sadd.s32 @!p0 $0x100000, s0  }
0x7e: {  	[sflag:s0] =	ssyncadd.tile.s32 @!p0 $0x1;
	_ =	shalt  }
.Lfunc_end2:
_tile_overlayer_lowered:
.L_overlay_start_2:
0x7f: {  	(tag) =	ssettag $0x2  }
0x80: {  	s0 =	rddreg [dreg:$0x0];
	s2 =	stileid.u32  }
0x81: {  	s1 =	rddreg [dreg:$0x1];
	p0 =	sne.s32 s2, $0x0  }
0x82: {  	s3 =	rddreg [dreg:$0x2];
	[bflag:$0x3] =	sbarrier.arrive $0xFFFF;
	s2 =	simm.s32 @!p0 $0x1C03  }
0x83: {  	[timem:s3], [sflag:s2] =	dma.local @!p0 [hbm:s0], s1  }
0x84: {  	s0 =	simm.s32 @!p0 $0x3  }
0x85: {  	_ =	swait.ge @!p0 [sflag:s0], s1  }
0x86: {  	s1 =	ssub.s32 @!p0 $0x0, s1;
	[sflag:s0] =	ssyncset.done @!p0 $0x0  }
0x87: {  	[sflag:s0] =	ssyncadd.s32 @!p0 s1  }
0x88: {  	[bflag:$0x3] =	sbarrier.arrive $0xFFFF  }
0x89: {  	_ =	shalt  }

</sc_bundles>
